<compile_context>
chip_gen: v7x
topology: tpu7x:2x2x1
jax: 0.10.2.dev20260603
libtpu: 0.0.44.dev20260713+nightly
codegen_flags: <defaults>
</compile_context>

<pallas_src>
import functools

import jax
import jax.numpy as jnp
from jax import lax
from jax.experimental import pallas as pl
from jax.experimental.pallas import tpu as pltpu
from jax.experimental.pallas import tpu_sc as plsc

CHUNK = 512
NBUF = 4
SC_FRAC = 16
SC_NUM = 8
TC_ROWS = 512
VPAD = 1024


@functools.lru_cache(maxsize=None)
def _make_sc(B: int, D: int, V: int):
    info = plsc.get_sparse_core_info()
    NC, NS = info.num_cores, info.num_subcores
    NW = NC * NS
    assert B % (NW * CHUNK * NBUF) == 0
    b_per_w = B // NW
    n_groups = b_per_w // (CHUNK * NBUF)
    mesh = plsc.VectorSubcoreMesh(core_axis_name="c", subcore_axis_name="s")

    scratch = (
        [pltpu.VMEM((CHUNK,), jnp.int32) for _ in range(NBUF)]
        + [pltpu.VMEM((CHUNK, D), jnp.float32) for _ in range(NBUF)]
        + [pltpu.SemaphoreType.DMA for _ in range(2 * NBUF)]
        + [pltpu.VMEM_SHARED((V, D), jnp.float32)]
    )

    @functools.partial(
        pl.kernel,
        mesh=mesh,
        compiler_params=pltpu.CompilerParams(use_tc_tiling_on_sc=False),
        out_type=jax.ShapeDtypeStruct((B, D), jnp.float32),
        scratch_types=scratch,
    )
    def k(idx_hbm, table_hbm, out_hbm, *scr):
        idx_vs = scr[:NBUF]
        rows_vs = scr[NBUF : 2 * NBUF]
        gsems = scr[2 * NBUF : 3 * NBUF]
        osems = scr[3 * NBUF : 4 * NBUF]
        table_sh = scr[4 * NBUF]
        sid = lax.axis_index("s")
        wid = sid * NC + lax.axis_index("c")
        base = wid * b_per_w

        @pl.when(sid == 0)
        def _stage():
            pltpu.sync_copy(table_hbm, table_sh)

        plsc.subcore_barrier()

        def group(gi, carry):
            offs = [base + (gi * NBUF + b) * CHUNK for b in range(NBUF)]
            gathers = []
            for b in range(NBUF):
                @pl.when(gi > 0)
                def _drain(b=b):
                    pltpu.make_async_copy(
                        rows_vs[b], out_hbm.at[pl.ds(offs[b], CHUNK)], osems[b]
                    ).wait()

                pltpu.sync_copy(idx_hbm.at[pl.ds(offs[b], CHUNK)], idx_vs[b])
                gathers.append(
                    pltpu.async_copy(table_sh.at[idx_vs[b]], rows_vs[b], gsems[b])
                )
            for b in range(NBUF):
                gathers[b].wait()
                pltpu.async_copy(
                    rows_vs[b], out_hbm.at[pl.ds(offs[b], CHUNK)], osems[b]
                )
            return carry

        lax.fori_loop(0, n_groups, group, 0)
        for b in range(NBUF):
            pltpu.make_async_copy(
                rows_vs[b], out_hbm.at[pl.ds(base + b * CHUNK, CHUNK)], osems[b]
            ).wait()

    return k


def _tc_body(idx_ref, tab_ref, out_ref):
    idx = idx_ref[0, 0, :]
    onehot = (
        idx[:, None] == lax.broadcasted_iota(jnp.int32, (TC_ROWS, VPAD), 1)
    ).astype(jnp.float32)
    out_ref[...] = lax.dot_general(
        onehot,
        tab_ref[...],
        (((1,), (0,)), ((), ())),
        precision=lax.Precision.HIGHEST,
    )


@functools.lru_cache(maxsize=None)
def _make_tc(B: int, D: int):
    assert B % TC_ROWS == 0
    nb = B // TC_ROWS
    return pl.pallas_call(
        _tc_body,
        grid=(nb,),
        in_specs=[
            pl.BlockSpec((1, 1, TC_ROWS), lambda i: (i, 0, 0)),
            pl.BlockSpec((VPAD, D), lambda i: (0, 0)),
        ],
        out_specs=pl.BlockSpec((TC_ROWS, D), lambda i: (i, 0)),
        out_shape=jax.ShapeDtypeStruct((B, D), jnp.float32),
        compiler_params=pltpu.CompilerParams(
            dimension_semantics=("parallel",)
        ),
    )


def kernel(x, table):
    B0, H = x.shape
    D = table.shape[1]
    V = table.shape[0]
    B = B0 * H
    idx = x.reshape(B).astype(jnp.int32)
    b_sc = (B * SC_NUM // SC_FRAC) // (32 * CHUNK * NBUF) * (32 * CHUNK * NBUF)
    b_tc = B - b_sc
    sc_out = _make_sc(b_sc, D, V)(idx[:b_sc], table)
    tab_pad = jnp.pad(table, ((0, VPAD - V), (0, 0)))
    idx_tc = idx[b_sc:].reshape(b_tc // TC_ROWS, 1, TC_ROWS)
    tc_out = _make_tc(b_tc, D)(idx_tc, tab_pad)
    out = jnp.concatenate([sc_out, tc_out], axis=0)
    return out.reshape(B0, H, D)

# --- scband reference (transcript-rebuilt; emitter-appended) ---
"""Pipeline reference for scband-categorical-encoder-61349312856681 (READ-ONLY COPY).

The authoritative reference and input builder live on the scoring server;
editing this copy changes nothing except your own understanding.
"""

import jax, jax.numpy as jnp
import numpy as np

NUM_EMBEDDINGS = 1000
EMBED_DIM = 32
BATCH = 16384
HIST = 200

def setup_inputs(seed: int = 0) -> dict:
    key = jax.random.key(seed)
    k_idx, k_tab = jax.random.split(key)
    x = jax.random.randint(k_idx, (BATCH, HIST), 0, NUM_EMBEDDINGS, dtype=jnp.int64 if jax.config.read('jax_enable_x64') else jnp.int32)
    table = jax.random.normal(k_tab, (NUM_EMBEDDINGS, EMBED_DIM), dtype=jnp.float32)
    return {"x": x, "table": table}

def reference(x, table):
    # torch.nn.Embedding lookup: out[b, t, :] = table[x[b, t], :]
    return jnp.take(table, x, axis=0)

if __name__ == "__main__":
    import jax
    _d = setup_inputs()
    print(jax.jit(kernel)(*tuple(_d.values())))

</pallas_src>

<mosaic_0001>
#map = affine_map<(d0, d1) -> (0)>
#map1 = affine_map<(d0, d1) -> (0, 0)>
module attributes {stable_mosaic.version = 14 : i64} {
  func.func @k(%arg0: i32, %arg1: i32, %arg2: memref<1638400xi32, #tpu.memory_space<hbm>>, %arg3: memref<1000x32xf32, #tpu.memory_space<hbm>>, %arg4: memref<1638400x32xf32, #tpu.memory_space<hbm>>, %arg5: memref<512xi32, #tpu.memory_space<vmem>>, %arg6: memref<512xi32, #tpu.memory_space<vmem>>, %arg7: memref<512xi32, #tpu.memory_space<vmem>>, %arg8: memref<512xi32, #tpu.memory_space<vmem>>, %arg9: memref<512x32xf32, #tpu.memory_space<vmem>>, %arg10: memref<512x32xf32, #tpu.memory_space<vmem>>, %arg11: memref<512x32xf32, #tpu.memory_space<vmem>>, %arg12: memref<512x32xf32, #tpu.memory_space<vmem>>, %arg13: memref<!tpu.dma_semaphore, #tpu.memory_space<semaphore_mem>>, %arg14: memref<!tpu.dma_semaphore, #tpu.memory_space<semaphore_mem>>, %arg15: memref<!tpu.dma_semaphore, #tpu.memory_space<semaphore_mem>>, %arg16: memref<!tpu.dma_semaphore, #tpu.memory_space<semaphore_mem>>, %arg17: memref<!tpu.dma_semaphore, #tpu.memory_space<semaphore_mem>>, %arg18: memref<!tpu.dma_semaphore, #tpu.memory_space<semaphore_mem>>, %arg19: memref<!tpu.dma_semaphore, #tpu.memory_space<semaphore_mem>>, %arg20: memref<!tpu.dma_semaphore, #tpu.memory_space<semaphore_mem>>, %arg21: memref<1000x32xf32, #tpu.memory_space<vmem_shared>>) attributes {dimension_semantics = [#tpu.dimension_semantics<core_parallel>, #tpu.dimension_semantics<subcore_parallel>], iteration_bounds = array<i64: 2, 16>, scalar_prefetch = 0 : i64, scratch_operands = 17 : i64, tpu.core_type = #tpu.core_type<sc_vector_subcore>, window_params = [{transform_indices = #map}, {transform_indices = #map1}, {transform_indices = #map1}]} {
    %mul3A = arith.constant 2 : i32
    %mul3A_0 = arith.muli %arg1, %mul3A : i32
    %add3A = arith.addi %mul3A_0, %arg0 : i32
    %mul3A_1 = arith.constant 51200 : i32
    %mul3A_2 = arith.muli %add3A, %mul3A_1 : i32
    %eq3A = arith.constant 0 : i32
    %eq3A_3 = arith.cmpi eq, %arg1, %eq3A : i32
    %convert_element_type3A = arith.extui %eq3A_3 : i1 to i32
    %cond3A = arith.constant 0 : i32
    %cond3A_4 = arith.cmpi ne, %convert_element_type3A, %cond3A : i32
    scf.if %cond3A_4 {
      "tpu.region"() ({
        %run_scoped3A = tpu.sem_alloc : memref<!tpu.dma_semaphore, #tpu.memory_space<semaphore_mem>>
        tpu.enqueue_dma source(%arg3 : memref<1000x32xf32, #tpu.memory_space<hbm>>) target(%arg21 : memref<1000x32xf32, #tpu.memory_space<vmem_shared>>) target_semaphore(%run_scoped3A : memref<!tpu.dma_semaphore, #tpu.memory_space<semaphore_mem>>)
        tpu.wait_dma2 semaphore(%run_scoped3A : memref<!tpu.dma_semaphore, #tpu.memory_space<semaphore_mem>>) src(%arg3 : memref<1000x32xf32, #tpu.memory_space<hbm>>) dst(%arg21 : memref<1000x32xf32, #tpu.memory_space<vmem_shared>>)
        tpu.yield
      }) : () -> ()
    } else {
    }
    %barrier3A = arith.constant 0 : index
    tpu.barrier barrier_id(%barrier3A)
    %scan3A = arith.constant 0 : i32
    %scan3A_5 = arith.constant 0 : i32
    %scan3A_6 = arith.constant 25 : i32
    %scan3A_7 = arith.addi %scan3A_5, %scan3A_6 : i32
    %scan3A_8 = arith.constant 1 : i32
    scf.for %scan3A_33 = %scan3A_5 to %scan3A_7 step %scan3A_8  : i32 {
      %mul3A_34 = arith.constant 4 : i32
      %mul3A_35 = arith.muli %scan3A_33, %mul3A_34 : i32
      %add3A_36 = arith.constant 0 : i32
      %add3A_37 = arith.addi %mul3A_35, %add3A_36 : i32
      %mul3A_38 = arith.constant 512 : i32
      %mul3A_39 = arith.muli %add3A_37, %mul3A_38 : i32
      %add3A_40 = arith.addi %mul3A_2, %mul3A_39 : i32
      %mul3A_41 = arith.constant 4 : i32
      %mul3A_42 = arith.muli %scan3A_33, %mul3A_41 : i32
      %add3A_43 = arith.constant 1 : i32
      %add3A_44 = arith.addi %mul3A_42, %add3A_43 : i32
      %mul3A_45 = arith.constant 512 : i32
      %mul3A_46 = arith.muli %add3A_44, %mul3A_45 : i32
      %add3A_47 = arith.addi %mul3A_2, %mul3A_46 : i32
      %mul3A_48 = arith.constant 4 : i32
      %mul3A_49 = arith.muli %scan3A_33, %mul3A_48 : i32
      %add3A_50 = arith.constant 2 : i32
      %add3A_51 = arith.addi %mul3A_49, %add3A_50 : i32
      %mul3A_52 = arith.constant 512 : i32
      %mul3A_53 = arith.muli %add3A_51, %mul3A_52 : i32
      %add3A_54 = arith.addi %mul3A_2, %mul3A_53 : i32
      %mul3A_55 = arith.constant 4 : i32
      %mul3A_56 = arith.muli %scan3A_33, %mul3A_55 : i32
      %add3A_57 = arith.constant 3 : i32
      %add3A_58 = arith.addi %mul3A_56, %add3A_57 : i32
      %mul3A_59 = arith.constant 512 : i32
      %mul3A_60 = arith.muli %add3A_58, %mul3A_59 : i32
      %add3A_61 = arith.addi %mul3A_2, %mul3A_60 : i32
      %gt3A = arith.constant 0 : i32
      %gt3A_62 = arith.cmpi sgt, %scan3A_33, %gt3A : i32
      %convert_element_type3A_63 = arith.extui %gt3A_62 : i1 to i32
      %cond3A_64 = arith.constant 0 : i32
      %cond3A_65 = arith.cmpi ne, %convert_element_type3A_63, %cond3A_64 : i32
      scf.if %cond3A_65 {
        %dma_wait3A_120 = arith.constant 0 : i32
        %dma_wait3A_121 = tpu.memref_slice %arg4[%add3A_40, %dma_wait3A_120] : memref<1638400x32xf32, #tpu.memory_space<hbm>> -> memref<512x32xf32, #tpu.memory_space<hbm>>
        %dma_wait3A_122 = arith.constant 0 : i32
        %dma_wait3A_123 = tpu.memref_slice %arg4[%add3A_40, %dma_wait3A_122] : memref<1638400x32xf32, #tpu.memory_space<hbm>> -> memref<512x32xf32, #tpu.memory_space<hbm>>
        tpu.wait_dma2 semaphore(%arg17 : memref<!tpu.dma_semaphore, #tpu.memory_space<semaphore_mem>>) src(%arg9 : memref<512x32xf32, #tpu.memory_space<vmem>>) dst(%dma_wait3A_123 : memref<512x32xf32, #tpu.memory_space<hbm>>)
      } else {
      }
      "tpu.region"() ({
        %run_scoped3A = tpu.sem_alloc : memref<!tpu.dma_semaphore, #tpu.memory_space<semaphore_mem>>
        %dma_start3A_120 = tpu.memref_slice %arg2[%add3A_40] : memref<1638400xi32, #tpu.memory_space<hbm>> -> memref<512xi32, #tpu.memory_space<hbm>>
        %dma_start3A_121 = tpu.memref_slice %arg2[%add3A_40] : memref<1638400xi32, #tpu.memory_space<hbm>> -> memref<512xi32, #tpu.memory_space<hbm>>
        tpu.enqueue_dma source(%dma_start3A_121 : memref<512xi32, #tpu.memory_space<hbm>>) target(%arg5 : memref<512xi32, #tpu.memory_space<vmem>>) target_semaphore(%run_scoped3A : memref<!tpu.dma_semaphore, #tpu.memory_space<semaphore_mem>>)
        %dma_wait3A_122 = tpu.memref_slice %arg2[%add3A_40] : memref<1638400xi32, #tpu.memory_space<hbm>> -> memref<512xi32, #tpu.memory_space<hbm>>
        %dma_wait3A_123 = tpu.memref_slice %arg2[%add3A_40] : memref<1638400xi32, #tpu.memory_space<hbm>> -> memref<512xi32, #tpu.memory_space<hbm>>
        tpu.wait_dma2 semaphore(%run_scoped3A : memref<!tpu.dma_semaphore, #tpu.memory_space<semaphore_mem>>) src(%dma_wait3A_123 : memref<512xi32, #tpu.memory_space<hbm>>) dst(%arg5 : memref<512xi32, #tpu.memory_space<vmem>>)
        tpu.yield
      }) : () -> ()
      %dma_start3A = arith.constant 0 : i32
      %dma_start3A_66 = arith.constant 0 : i32
      %dma_start3A_67 = tpu.memref_slice %arg21[%dma_start3A, %dma_start3A_66] : memref<1000x32xf32, #tpu.memory_space<vmem_shared>> -> memref<1000x32xf32, #tpu.memory_space<vmem_shared>>
      tpu.enqueue_indirect_dma source(%dma_start3A_67 : memref<1000x32xf32, #tpu.memory_space<vmem_shared>>) target(%arg9 : memref<512x32xf32, #tpu.memory_space<vmem>>) offsets(%arg5 : memref<512xi32, #tpu.memory_space<vmem>>) semaphore(%arg13 : memref<!tpu.dma_semaphore, #tpu.memory_space<semaphore_mem>>)
      %gt3A_68 = arith.constant 0 : i32
      %gt3A_69 = arith.cmpi sgt, %scan3A_33, %gt3A_68 : i32
      %convert_element_type3A_70 = arith.extui %gt3A_69 : i1 to i32
      %cond3A_71 = arith.constant 0 : i32
      %cond3A_72 = arith.cmpi ne, %convert_element_type3A_70, %cond3A_71 : i32
      scf.if %cond3A_72 {
        %dma_wait3A_120 = arith.constant 0 : i32
        %dma_wait3A_121 = tpu.memref_slice %arg4[%add3A_47, %dma_wait3A_120] : memref<1638400x32xf32, #tpu.memory_space<hbm>> -> memref<512x32xf32, #tpu.memory_space<hbm>>
        %dma_wait3A_122 = arith.constant 0 : i32
        %dma_wait3A_123 = tpu.memref_slice %arg4[%add3A_47, %dma_wait3A_122] : memref<1638400x32xf32, #tpu.memory_space<hbm>> -> memref<512x32xf32, #tpu.memory_space<hbm>>
        tpu.wait_dma2 semaphore(%arg18 : memref<!tpu.dma_semaphore, #tpu.memory_space<semaphore_mem>>) src(%arg10 : memref<512x32xf32, #tpu.memory_space<vmem>>) dst(%dma_wait3A_123 : memref<512x32xf32, #tpu.memory_space<hbm>>)
      } else {
      }
      "tpu.region"() ({
        %run_scoped3A = tpu.sem_alloc : memref<!tpu.dma_semaphore, #tpu.memory_space<semaphore_mem>>
        %dma_start3A_120 = tpu.memref_slice %arg2[%add3A_47] : memref<1638400xi32, #tpu.memory_space<hbm>> -> memref<512xi32, #tpu.memory_space<hbm>>
        %dma_start3A_121 = tpu.memref_slice %arg2[%add3A_47] : memref<1638400xi32, #tpu.memory_space<hbm>> -> memref<512xi32, #tpu.memory_space<hbm>>
        tpu.enqueue_dma source(%dma_start3A_121 : memref<512xi32, #tpu.memory_space<hbm>>) target(%arg6 : memref<512xi32, #tpu.memory_space<vmem>>) target_semaphore(%run_scoped3A : memref<!tpu.dma_semaphore, #tpu.memory_space<semaphore_mem>>)
        %dma_wait3A_122 = tpu.memref_slice %arg2[%add3A_47] : memref<1638400xi32, #tpu.memory_space<hbm>> -> memref<512xi32, #tpu.memory_space<hbm>>
        %dma_wait3A_123 = tpu.memref_slice %arg2[%add3A_47] : memref<1638400xi32, #tpu.memory_space<hbm>> -> memref<512xi32, #tpu.memory_space<hbm>>
        tpu.wait_dma2 semaphore(%run_scoped3A : memref<!tpu.dma_semaphore, #tpu.memory_space<semaphore_mem>>) src(%dma_wait3A_123 : memref<512xi32, #tpu.memory_space<hbm>>) dst(%arg6 : memref<512xi32, #tpu.memory_space<vmem>>)
        tpu.yield
      }) : () -> ()
      %dma_start3A_73 = arith.constant 0 : i32
      %dma_start3A_74 = arith.constant 0 : i32
      %dma_start3A_75 = tpu.memref_slice %arg21[%dma_start3A_73, %dma_start3A_74] : memref<1000x32xf32, #tpu.memory_space<vmem_shared>> -> memref<1000x32xf32, #tpu.memory_space<vmem_shared>>
      tpu.enqueue_indirect_dma source(%dma_start3A_75 : memref<1000x32xf32, #tpu.memory_space<vmem_shared>>) target(%arg10 : memref<512x32xf32, #tpu.memory_space<vmem>>) offsets(%arg6 : memref<512xi32, #tpu.memory_space<vmem>>) semaphore(%arg14 : memref<!tpu.dma_semaphore, #tpu.memory_space<semaphore_mem>>)
      %gt3A_76 = arith.constant 0 : i32
      %gt3A_77 = arith.cmpi sgt, %scan3A_33, %gt3A_76 : i32
      %convert_element_type3A_78 = arith.extui %gt3A_77 : i1 to i32
      %cond3A_79 = arith.constant 0 : i32
      %cond3A_80 = arith.cmpi ne, %convert_element_type3A_78, %cond3A_79 : i32
      scf.if %cond3A_80 {
        %dma_wait3A_120 = arith.constant 0 : i32
        %dma_wait3A_121 = tpu.memref_slice %arg4[%add3A_54, %dma_wait3A_120] : memref<1638400x32xf32, #tpu.memory_space<hbm>> -> memref<512x32xf32, #tpu.memory_space<hbm>>
        %dma_wait3A_122 = arith.constant 0 : i32
        %dma_wait3A_123 = tpu.memref_slice %arg4[%add3A_54, %dma_wait3A_122] : memref<1638400x32xf32, #tpu.memory_space<hbm>> -> memref<512x32xf32, #tpu.memory_space<hbm>>
        tpu.wait_dma2 semaphore(%arg19 : memref<!tpu.dma_semaphore, #tpu.memory_space<semaphore_mem>>) src(%arg11 : memref<512x32xf32, #tpu.memory_space<vmem>>) dst(%dma_wait3A_123 : memref<512x32xf32, #tpu.memory_space<hbm>>)
      } else {
      }
      "tpu.region"() ({
        %run_scoped3A = tpu.sem_alloc : memref<!tpu.dma_semaphore, #tpu.memory_space<semaphore_mem>>
        %dma_start3A_120 = tpu.memref_slice %arg2[%add3A_54] : memref<1638400xi32, #tpu.memory_space<hbm>> -> memref<512xi32, #tpu.memory_space<hbm>>
        %dma_start3A_121 = tpu.memref_slice %arg2[%add3A_54] : memref<1638400xi32, #tpu.memory_space<hbm>> -> memref<512xi32, #tpu.memory_space<hbm>>
        tpu.enqueue_dma source(%dma_start3A_121 : memref<512xi32, #tpu.memory_space<hbm>>) target(%arg7 : memref<512xi32, #tpu.memory_space<vmem>>) target_semaphore(%run_scoped3A : memref<!tpu.dma_semaphore, #tpu.memory_space<semaphore_mem>>)
        %dma_wait3A_122 = tpu.memref_slice %arg2[%add3A_54] : memref<1638400xi32, #tpu.memory_space<hbm>> -> memref<512xi32, #tpu.memory_space<hbm>>
        %dma_wait3A_123 = tpu.memref_slice %arg2[%add3A_54] : memref<1638400xi32, #tpu.memory_space<hbm>> -> memref<512xi32, #tpu.memory_space<hbm>>
        tpu.wait_dma2 semaphore(%run_scoped3A : memref<!tpu.dma_semaphore, #tpu.memory_space<semaphore_mem>>) src(%dma_wait3A_123 : memref<512xi32, #tpu.memory_space<hbm>>) dst(%arg7 : memref<512xi32, #tpu.memory_space<vmem>>)
        tpu.yield
      }) : () -> ()
      %dma_start3A_81 = arith.constant 0 : i32
      %dma_start3A_82 = arith.constant 0 : i32
      %dma_start3A_83 = tpu.memref_slice %arg21[%dma_start3A_81, %dma_start3A_82] : memref<1000x32xf32, #tpu.memory_space<vmem_shared>> -> memref<1000x32xf32, #tpu.memory_space<vmem_shared>>
      tpu.enqueue_indirect_dma source(%dma_start3A_83 : memref<1000x32xf32, #tpu.memory_space<vmem_shared>>) target(%arg11 : memref<512x32xf32, #tpu.memory_space<vmem>>) offsets(%arg7 : memref<512xi32, #tpu.memory_space<vmem>>) semaphore(%arg15 : memref<!tpu.dma_semaphore, #tpu.memory_space<semaphore_mem>>)
      %gt3A_84 = arith.constant 0 : i32
      %gt3A_85 = arith.cmpi sgt, %scan3A_33, %gt3A_84 : i32
      %convert_element_type3A_86 = arith.extui %gt3A_85 : i1 to i32
      %cond3A_87 = arith.constant 0 : i32
      %cond3A_88 = arith.cmpi ne, %convert_element_type3A_86, %cond3A_87 : i32
      scf.if %cond3A_88 {
        %dma_wait3A_120 = arith.constant 0 : i32
        %dma_wait3A_121 = tpu.memref_slice %arg4[%add3A_61, %dma_wait3A_120] : memref<1638400x32xf32, #tpu.memory_space<hbm>> -> memref<512x32xf32, #tpu.memory_space<hbm>>
        %dma_wait3A_122 = arith.constant 0 : i32
        %dma_wait3A_123 = tpu.memref_slice %arg4[%add3A_61, %dma_wait3A_122] : memref<1638400x32xf32, #tpu.memory_space<hbm>> -> memref<512x32xf32, #tpu.memory_space<hbm>>
        tpu.wait_dma2 semaphore(%arg20 : memref<!tpu.dma_semaphore, #tpu.memory_space<semaphore_mem>>) src(%arg12 : memref<512x32xf32, #tpu.memory_space<vmem>>) dst(%dma_wait3A_123 : memref<512x32xf32, #tpu.memory_space<hbm>>)
      } else {
      }
      "tpu.region"() ({
        %run_scoped3A = tpu.sem_alloc : memref<!tpu.dma_semaphore, #tpu.memory_space<semaphore_mem>>
        %dma_start3A_120 = tpu.memref_slice %arg2[%add3A_61] : memref<1638400xi32, #tpu.memory_space<hbm>> -> memref<512xi32, #tpu.memory_space<hbm>>
        %dma_start3A_121 = tpu.memref_slice %arg2[%add3A_61] : memref<1638400xi32, #tpu.memory_space<hbm>> -> memref<512xi32, #tpu.memory_space<hbm>>
        tpu.enqueue_dma source(%dma_start3A_121 : memref<512xi32, #tpu.memory_space<hbm>>) target(%arg8 : memref<512xi32, #tpu.memory_space<vmem>>) target_semaphore(%run_scoped3A : memref<!tpu.dma_semaphore, #tpu.memory_space<semaphore_mem>>)
        %dma_wait3A_122 = tpu.memref_slice %arg2[%add3A_61] : memref<1638400xi32, #tpu.memory_space<hbm>> -> memref<512xi32, #tpu.memory_space<hbm>>
        %dma_wait3A_123 = tpu.memref_slice %arg2[%add3A_61] : memref<1638400xi32, #tpu.memory_space<hbm>> -> memref<512xi32, #tpu.memory_space<hbm>>
        tpu.wait_dma2 semaphore(%run_scoped3A : memref<!tpu.dma_semaphore, #tpu.memory_space<semaphore_mem>>) src(%dma_wait3A_123 : memref<512xi32, #tpu.memory_space<hbm>>) dst(%arg8 : memref<512xi32, #tpu.memory_space<vmem>>)
        tpu.yield
      }) : () -> ()
      %dma_start3A_89 = arith.constant 0 : i32
      %dma_start3A_90 = arith.constant 0 : i32
      %dma_start3A_91 = tpu.memref_slice %arg21[%dma_start3A_89, %dma_start3A_90] : memref<1000x32xf32, #tpu.memory_space<vmem_shared>> -> memref<1000x32xf32, #tpu.memory_space<vmem_shared>>
      tpu.enqueue_indirect_dma source(%dma_start3A_91 : memref<1000x32xf32, #tpu.memory_space<vmem_shared>>) target(%arg12 : memref<512x32xf32, #tpu.memory_space<vmem>>) offsets(%arg8 : memref<512xi32, #tpu.memory_space<vmem>>) semaphore(%arg16 : memref<!tpu.dma_semaphore, #tpu.memory_space<semaphore_mem>>)
      %dma_wait3A_92 = arith.constant 0 : i32
      %dma_wait3A_93 = arith.constant 0 : i32
      %dma_wait3A_94 = tpu.memref_slice %arg21[%dma_wait3A_92, %dma_wait3A_93] : memref<1000x32xf32, #tpu.memory_space<vmem_shared>> -> memref<1000x32xf32, #tpu.memory_space<vmem_shared>>
      tpu.wait_indirect_dma semaphore(%arg13 : memref<!tpu.dma_semaphore, #tpu.memory_space<semaphore_mem>>) src(%dma_wait3A_94 : memref<1000x32xf32, #tpu.memory_space<vmem_shared>>) dst(%arg9 : memref<512x32xf32, #tpu.memory_space<vmem>>)
      %dma_start3A_95 = arith.constant 0 : i32
      %dma_start3A_96 = tpu.memref_slice %arg4[%add3A_40, %dma_start3A_95] : memref<1638400x32xf32, #tpu.memory_space<hbm>> -> memref<512x32xf32, #tpu.memory_space<hbm>>
      %dma_start3A_97 = arith.constant 0 : i32
      %dma_start3A_98 = tpu.memref_slice %arg4[%add3A_40, %dma_start3A_97] : memref<1638400x32xf32, #tpu.memory_space<hbm>> -> memref<512x32xf32, #tpu.memory_space<hbm>>
      tpu.enqueue_dma source(%arg9 : memref<512x32xf32, #tpu.memory_space<vmem>>) target(%dma_start3A_98 : memref<512x32xf32, #tpu.memory_space<hbm>>) target_semaphore(%arg17 : memref<!tpu.dma_semaphore, #tpu.memory_space<semaphore_mem>>)
      %dma_wait3A_99 = arith.constant 0 : i32
      %dma_wait3A_100 = arith.constant 0 : i32
      %dma_wait3A_101 = tpu.memref_slice %arg21[%dma_wait3A_99, %dma_wait3A_100] : memref<1000x32xf32, #tpu.memory_space<vmem_shared>> -> memref<1000x32xf32, #tpu.memory_space<vmem_shared>>
      tpu.wait_indirect_dma semaphore(%arg14 : memref<!tpu.dma_semaphore, #tpu.memory_space<semaphore_mem>>) src(%dma_wait3A_101 : memref<1000x32xf32, #tpu.memory_space<vmem_shared>>) dst(%arg10 : memref<512x32xf32, #tpu.memory_space<vmem>>)
      %dma_start3A_102 = arith.constant 0 : i32
      %dma_start3A_103 = tpu.memref_slice %arg4[%add3A_47, %dma_start3A_102] : memref<1638400x32xf32, #tpu.memory_space<hbm>> -> memref<512x32xf32, #tpu.memory_space<hbm>>
      %dma_start3A_104 = arith.constant 0 : i32
      %dma_start3A_105 = tpu.memref_slice %arg4[%add3A_47, %dma_start3A_104] : memref<1638400x32xf32, #tpu.memory_space<hbm>> -> memref<512x32xf32, #tpu.memory_space<hbm>>
      tpu.enqueue_dma source(%arg10 : memref<512x32xf32, #tpu.memory_space<vmem>>) target(%dma_start3A_105 : memref<512x32xf32, #tpu.memory_space<hbm>>) target_semaphore(%arg18 : memref<!tpu.dma_semaphore, #tpu.memory_space<semaphore_mem>>)
      %dma_wait3A_106 = arith.constant 0 : i32
      %dma_wait3A_107 = arith.constant 0 : i32
      %dma_wait3A_108 = tpu.memref_slice %arg21[%dma_wait3A_106, %dma_wait3A_107] : memref<1000x32xf32, #tpu.memory_space<vmem_shared>> -> memref<1000x32xf32, #tpu.memory_space<vmem_shared>>
      tpu.wait_indirect_dma semaphore(%arg15 : memref<!tpu.dma_semaphore, #tpu.memory_space<semaphore_mem>>) src(%dma_wait3A_108 : memref<1000x32xf32, #tpu.memory_space<vmem_shared>>) dst(%arg11 : memref<512x32xf32, #tpu.memory_space<vmem>>)
      %dma_start3A_109 = arith.constant 0 : i32
      %dma_start3A_110 = tpu.memref_slice %arg4[%add3A_54, %dma_start3A_109] : memref<1638400x32xf32, #tpu.memory_space<hbm>> -> memref<512x32xf32, #tpu.memory_space<hbm>>
      %dma_start3A_111 = arith.constant 0 : i32
      %dma_start3A_112 = tpu.memref_slice %arg4[%add3A_54, %dma_start3A_111] : memref<1638400x32xf32, #tpu.memory_space<hbm>> -> memref<512x32xf32, #tpu.memory_space<hbm>>
      tpu.enqueue_dma source(%arg11 : memref<512x32xf32, #tpu.memory_space<vmem>>) target(%dma_start3A_112 : memref<512x32xf32, #tpu.memory_space<hbm>>) target_semaphore(%arg19 : memref<!tpu.dma_semaphore, #tpu.memory_space<semaphore_mem>>)
      %dma_wait3A_113 = arith.constant 0 : i32
      %dma_wait3A_114 = arith.constant 0 : i32
      %dma_wait3A_115 = tpu.memref_slice %arg21[%dma_wait3A_113, %dma_wait3A_114] : memref<1000x32xf32, #tpu.memory_space<vmem_shared>> -> memref<1000x32xf32, #tpu.memory_space<vmem_shared>>
      tpu.wait_indirect_dma semaphore(%arg16 : memref<!tpu.dma_semaphore, #tpu.memory_space<semaphore_mem>>) src(%dma_wait3A_115 : memref<1000x32xf32, #tpu.memory_space<vmem_shared>>) dst(%arg12 : memref<512x32xf32, #tpu.memory_space<vmem>>)
      %dma_start3A_116 = arith.constant 0 : i32
      %dma_start3A_117 = tpu.memref_slice %arg4[%add3A_61, %dma_start3A_116] : memref<1638400x32xf32, #tpu.memory_space<hbm>> -> memref<512x32xf32, #tpu.memory_space<hbm>>
      %dma_start3A_118 = arith.constant 0 : i32
      %dma_start3A_119 = tpu.memref_slice %arg4[%add3A_61, %dma_start3A_118] : memref<1638400x32xf32, #tpu.memory_space<hbm>> -> memref<512x32xf32, #tpu.memory_space<hbm>>
      tpu.enqueue_dma source(%arg12 : memref<512x32xf32, #tpu.memory_space<vmem>>) target(%dma_start3A_119 : memref<512x32xf32, #tpu.memory_space<hbm>>) target_semaphore(%arg20 : memref<!tpu.dma_semaphore, #tpu.memory_space<semaphore_mem>>)
    }
    %scan3A_9 = arith.constant 25 : i32
    %add3A_10 = arith.constant 0 : i32
    %add3A_11 = arith.addi %mul3A_2, %add3A_10 : i32
    %dma_wait3A = arith.constant 0 : i32
    %dma_wait3A_12 = tpu.memref_slice %arg4[%add3A_11, %dma_wait3A] : memref<1638400x32xf32, #tpu.memory_space<hbm>> -> memref<512x32xf32, #tpu.memory_space<hbm>>
    %dma_wait3A_13 = arith.constant 0 : i32
    %dma_wait3A_14 = tpu.memref_slice %arg4[%add3A_11, %dma_wait3A_13] : memref<1638400x32xf32, #tpu.memory_space<hbm>> -> memref<512x32xf32, #tpu.memory_space<hbm>>
    tpu.wait_dma2 semaphore(%arg17 : memref<!tpu.dma_semaphore, #tpu.memory_space<semaphore_mem>>) src(%arg9 : memref<512x32xf32, #tpu.memory_space<vmem>>) dst(%dma_wait3A_14 : memref<512x32xf32, #tpu.memory_space<hbm>>)
    %add3A_15 = arith.constant 512 : i32
    %add3A_16 = arith.addi %mul3A_2, %add3A_15 : i32
    %dma_wait3A_17 = arith.constant 0 : i32
    %dma_wait3A_18 = tpu.memref_slice %arg4[%add3A_16, %dma_wait3A_17] : memref<1638400x32xf32, #tpu.memory_space<hbm>> -> memref<512x32xf32, #tpu.memory_space<hbm>>
    %dma_wait3A_19 = arith.constant 0 : i32
    %dma_wait3A_20 = tpu.memref_slice %arg4[%add3A_16, %dma_wait3A_19] : memref<1638400x32xf32, #tpu.memory_space<hbm>> -> memref<512x32xf32, #tpu.memory_space<hbm>>
    tpu.wait_dma2 semaphore(%arg18 : memref<!tpu.dma_semaphore, #tpu.memory_space<semaphore_mem>>) src(%arg10 : memref<512x32xf32, #tpu.memory_space<vmem>>) dst(%dma_wait3A_20 : memref<512x32xf32, #tpu.memory_space<hbm>>)
    %add3A_21 = arith.constant 1024 : i32
    %add3A_22 = arith.addi %mul3A_2, %add3A_21 : i32
    %dma_wait3A_23 = arith.constant 0 : i32
    %dma_wait3A_24 = tpu.memref_slice %arg4[%add3A_22, %dma_wait3A_23] : memref<1638400x32xf32, #tpu.memory_space<hbm>> -> memref<512x32xf32, #tpu.memory_space<hbm>>
    %dma_wait3A_25 = arith.constant 0 : i32
    %dma_wait3A_26 = tpu.memref_slice %arg4[%add3A_22, %dma_wait3A_25] : memref<1638400x32xf32, #tpu.memory_space<hbm>> -> memref<512x32xf32, #tpu.memory_space<hbm>>
    tpu.wait_dma2 semaphore(%arg19 : memref<!tpu.dma_semaphore, #tpu.memory_space<semaphore_mem>>) src(%arg11 : memref<512x32xf32, #tpu.memory_space<vmem>>) dst(%dma_wait3A_26 : memref<512x32xf32, #tpu.memory_space<hbm>>)
    %add3A_27 = arith.constant 1536 : i32
    %add3A_28 = arith.addi %mul3A_2, %add3A_27 : i32
    %dma_wait3A_29 = arith.constant 0 : i32
    %dma_wait3A_30 = tpu.memref_slice %arg4[%add3A_28, %dma_wait3A_29] : memref<1638400x32xf32, #tpu.memory_space<hbm>> -> memref<512x32xf32, #tpu.memory_space<hbm>>
    %dma_wait3A_31 = arith.constant 0 : i32
    %dma_wait3A_32 = tpu.memref_slice %arg4[%add3A_28, %dma_wait3A_31] : memref<1638400x32xf32, #tpu.memory_space<hbm>> -> memref<512x32xf32, #tpu.memory_space<hbm>>
    tpu.wait_dma2 semaphore(%arg20 : memref<!tpu.dma_semaphore, #tpu.memory_space<semaphore_mem>>) src(%arg12 : memref<512x32xf32, #tpu.memory_space<vmem>>) dst(%dma_wait3A_32 : memref<512x32xf32, #tpu.memory_space<hbm>>)
    return
  }
}

module attributes {stable_mosaic.version = 14 : i64} {
  func.func @_tc_body(%arg0: i32, %arg1: memref<1x1x512xi32, #tpu.memory_space<vmem>>, %arg2: memref<1024x32xf32, #tpu.memory_space<vmem>>, %arg3: memref<512x32xf32, #tpu.memory_space<vmem>>) attributes {dimension_semantics = [#tpu.dimension_semantics<parallel>], iteration_bounds = array<i64: 3200>, scalar_prefetch = 0 : i64, scratch_operands = 0 : i64, tpu.core_type = #tpu.core_type<tc>, window_params = [{transform_indices = @transform_0, window_bounds = array<i64: 1, 1, 512>}, {pipeline_mode = #tpu.pipeline_mode<synchronous>, transform_indices = @transform_1, window_bounds = array<i64: 1024, 32>}, {transform_indices = @transform_2, window_bounds = array<i64: 512, 32>}]} {
    %get3A = arith.constant 0 : index
    %get3A_0 = arith.constant 0 : index
    %get3A_1 = arith.constant 0 : index
    %get3A_2 = vector.load %arg1[%get3A, %get3A_0, %get3A_1] : memref<1x1x512xi32, #tpu.memory_space<vmem>>, vector<1x1x512xi32>
    %get3A_3 = vector.shape_cast %get3A_2 : vector<1x1x512xi32> to vector<512xi32>
    %broadcast_in_dim3A = vector.shape_cast %get3A_3 : vector<512xi32> to vector<512x1xi32>
    %iota3A = tpu.iota {dimensions = array<i32: 1>} : vector<512x1024xi32>
    %eq3A = vector.broadcast %broadcast_in_dim3A : vector<512x1xi32> to vector<512x1024xi32>
    %eq3A_4 = arith.cmpi eq, %eq3A, %iota3A : vector<512x1024xi32>
    %convert_element_type3A = arith.extui %eq3A_4 : vector<512x1024xi1> to vector<512x1024xi32>
    %convert_element_type3A_5 = arith.sitofp %convert_element_type3A : vector<512x1024xi32> to vector<512x1024xf32>
    %get3A_6 = arith.constant 0 : index
    %get3A_7 = arith.constant 0 : index
    %get3A_8 = vector.load %arg2[%get3A_6, %get3A_7] : memref<1024x32xf32, #tpu.memory_space<vmem>>, vector<1024x32xf32>
    %dot_general3A = arith.constant dense<0.000000e+00> : vector<512x32xf32>
    %dot_general3A_9 = tpu.matmul %convert_element_type3A_5, %get3A_8, %dot_general3A {dimension_numbers = #tpu.dot_dimension_numbers<[1], [0], [0], [1], [0, 0, 1, 1], [], []>, precision = #tpu.contract_precision<fp32>, transpose_lhs_hint = false} : vector<512x1024xf32>, vector<1024x32xf32>, vector<512x32xf32> -> vector<512x32xf32>
    %swap3A = arith.constant 0 : index
    %swap3A_10 = arith.constant 0 : index
    %swap3A_11 = vector.load %arg3[%swap3A, %swap3A_10] : memref<512x32xf32, #tpu.memory_space<vmem>>, vector<512x32xf32>
    tpu.vector_store %arg3[%swap3A, %swap3A_10], %dot_general3A_9 {strides = array<i32>} : memref<512x32xf32, #tpu.memory_space<vmem>>, vector<512x32xf32>,
    return
  }
  func.func @transform_0(%arg0: i32) -> (i32, i32, i32) {
    %c0_i32 = arith.constant 0 : i32
    %c0_i32_0 = arith.constant 0 : i32
    %c0_i32_1 = arith.constant 0 : i32
    return %arg0, %c0_i32, %c0_i32_0 : i32, i32, i32
  }
  func.func @transform_1(%arg0: i32) -> (i32, i32) {
    %c0_i32 = arith.constant 0 : i32
    %c0_i32_0 = arith.constant 0 : i32
    %c0_i32_1 = arith.constant 0 : i32
    return %c0_i32, %c0_i32_0 : i32, i32
  }
  func.func @transform_2(%arg0: i32) -> (i32, i32) {
    %c0_i32 = arith.constant 0 : i32
    %c0_i32_0 = arith.constant 0 : i32
    return %arg0, %c0_i32 : i32, i32
  }
}

</mosaic_0001>

<sc_bundles>
// kernel: kernel.4.cloned.1.call-start
scs
__scs_entry_jumppad:
0x0: {  	(pc) =	sbr.rel $0x88, $3  }
0x1: {  	(tag) =	ssettag $0x0;
	lr =	simm.s32 $0x1  }
0x2: {  	[smem:$0x3F9F] =	sst lr;
	_ =	strace $0xD0000000  }
0x3: {  	_ = 	snop  }
0x4: {  	_ = 	snop  }
0x5: {  	_ = 	snop  }
0x6: {  	_ = 	snop  }
0x7: {  	_ = 	snop  }
__scs_overlays_trampoline_lowered:
0x8: {  	[smem:$0x3FAE] =	sst s0  }
0x9: {  	[smem:$0x3FAF] =	sst s1  }
0xa: {  	[smem:$0x3FB0] =	sst s2  }
0xb: {  	[smem:$0x3FB1] =	sst s3  }
0xc: {  	[smem:$0x3FB2] =	sst s4  }
0xd: {  	[smem:$0x3FB3] =	sst s5  }
0xe: {  	[smem:$0x3FB4] =	sst s6  }
0xf: {  	[smem:$0x3FB5] =	sst s7  }
0x10: {  	[smem:$0x3FB6] =	sst s8  }
0x11: {  	[smem:$0x3FB7] =	sst s9;
	s0 =	simm.s32 @!p0 $0x0  }
0x12: {  	s1 =	sld [smem:$0x3F9D];
	s0 =	simm.s32 @p0 $0x1  }
0x13: {  	[smem:$0x3FB8] =	sst s0;
	s0 =	simm.s32 @!p1 $0x0  }
0x14: {  	s2 =	sld [smem:$0x3F9C];
	s0 =	simm.s32 @p1 $0x1  }
0x15: {  	[smem:$0x3FB9] =	sst s0;
	s0 =	simm.s32 @!p2 $0x0  }
0x16: {  	s3 =	sld [smem:$0x3FDB];
	s0 =	simm.s32 @p2 $0x1  }
0x17: {  	s4 =	simm.s32 $0x1BF5;
	[smem:$0x3FBB] =	sst s0  }
0x18: {  	s0 =	sld [smem:$0x3F9E];
	_ =	swait.ge [sflag:s4], $0x0  }
0x19: {  	s7 =	sld [smem:$0x3F9F]  }
0x1a: {  	s8 =	sadd.s32 $0xFFFFE003, lr  }
0x1b: {  	s9 =	sadd.s32 $0xFFFFFEF7, lr;
	s5 =	simm.s32 $0xFFFFFFFF;
	p2 =	slt.u32 s8, $0xFFFFF086  }
0x1c: {  	p1 =	slt.u32 s9, $0xF7A;
	s5 =	simm.s32 @!p2 $0x0  }
0x1d: {  	s5 =	simm.s32 @p1 $0x1;
	p0 =	seq.s32 s7, s2  }
0x1e: {  	s7 =	smul.u32 @!p0 $0xF7A, s2;
	p2 =	seq.s32 @!p0 s5, $0x0  }
0x1f: {  	s9 =	smul.u32 $0xF7A, s1;
	s8 =	simm.s32 @!p0 $0x1BF5;
	p2 =	por !p2, p0  }
0x20: {  	[sflag:s8] =	ssyncset.s32 @!p0 $0xFFFFF086;
	s6 =	sadd.s32 @!p0 s3, s7;
	s7 =	simm.s32 @!p0 $0x108  }
0x21: {  	s3 =	sadd.s32 s3, s9;
	s6 =	sadd.s32 @!p0 $0x88, s6;
	s7 =	simm.s32 @p2 $0x1082  }
0x22: {  	[simem:s7], [sflag:s8] =	dma.local @!p0 [hbm:s6], $0xF7A  }
0x23: {  	s9 =	sor.u32 $0xD0000000, s2;
	s6 =	simm.s32 $0x108;
	_ =	swait.ge @!p0 [sflag:s8], $0x0  }
0x24: {  	s3 =	sadd.s32 $0x88, s3;
	s6 =	simm.s32 @!p1 $0x1082;
	[sflag:s4] =	ssyncset.s32 $0xFFFFF086  }
0x25: {  	[simem:s6], [sflag:s4] =	dma.local [hbm:s3], $0xF7A  }
0x26: {  	[smem:$0x3F9F] =	sst s1;
	(tag) =	ssettag s2;
	_ =	strace s9  }
0x27: {  	s1 =	sld [smem:$0x3FAF]  }
0x28: {  	s2 =	sld [smem:$0x3FB0]  }
0x29: {  	s4 =	sld [smem:$0x3FB2]  }
0x2a: {  	p0 =	seq.s32 s5, $0x0;
	s5 =	sld [smem:$0x3FB3]  }
0x2b: {  	s6 =	sld [smem:$0x3FB4]  }
0x2c: {  	s7 =	sld [smem:$0x3FB5]  }
0x2d: {  	s3 =	simm.s32 $0x108;
	s8 =	sld [smem:$0x3FB6]  }
0x2e: {  	s3 =	simm.s32 @!p0 $0x1082;
	s9 =	sld [smem:$0x3FB7]  }
0x2f: {  	lr =	sadd.s32 s0, s3;
	s0 =	sld [smem:$0x3FAE]  }
0x30: {  	s3 =	sld [smem:$0x3FB1]  }
0x31: {  	[smem:$0x3FBA] =	sst s10  }
0x32: {  	s10 =	sld [smem:$0x3FB8];
	_ =	sdelay $0x3  }
0x33: {  	p0 =	seq.s32 s10, $0x1;
	s10 =	sld [smem:$0x3FBA];
	_ =	sdelay $0x3  }
0x34: {  	[smem:$0x3FBA] =	sst s10  }
0x35: {  	s10 =	sld [smem:$0x3FB9];
	_ =	sdelay $0x3  }
0x36: {  	p1 =	seq.s32 s10, $0x1;
	s10 =	sld [smem:$0x3FBA];
	_ =	sdelay $0x3  }
0x37: {  	[smem:$0x3FBA] =	sst s10  }
0x38: {  	s10 =	sld [smem:$0x3FBB]  }
0x39: {  	_ = 	snop;
	(pc) =	sbr.ind lr, $3  }
0x3a: {  	_ = 	snop  }
0x3b: {  	_ = 	snop  }
0x3c: {  	p2 =	seq.s32 s10, $0x1;
	s10 =	sld [smem:$0x3FBA]  }
0x3d: {  	_ =	shalt  }
0x3e: {  	_ =	shalt  }
0x3f: {  	_ =	shalt  }
0x40: {  	_ =	shalt  }
0x41: {  	_ =	shalt  }
0x42: {  	_ =	shalt  }
0x43: {  	_ =	shalt  }
0x44: {  	_ =	shalt  }
0x45: {  	_ =	shalt  }
0x46: {  	_ =	shalt  }
0x47: {  	_ =	shalt  }
0x48: {  	_ =	shalt  }
0x49: {  	_ =	shalt  }
0x4a: {  	_ =	shalt  }
0x4b: {  	_ =	shalt  }
0x4c: {  	_ =	shalt  }
0x4d: {  	_ =	shalt  }
0x4e: {  	_ =	shalt  }
0x4f: {  	_ =	shalt  }
0x50: {  	_ =	shalt  }
0x51: {  	_ =	shalt  }
0x52: {  	_ =	shalt  }
0x53: {  	_ =	shalt  }
0x54: {  	_ =	shalt  }
0x55: {  	_ =	shalt  }
0x56: {  	_ =	shalt  }
0x57: {  	_ =	shalt  }
0x58: {  	_ =	shalt  }
0x59: {  	_ =	shalt  }
0x5a: {  	_ =	shalt  }
0x5b: {  	_ =	shalt  }
0x5c: {  	_ =	shalt  }
0x5d: {  	_ =	shalt  }
0x5e: {  	_ =	shalt  }
0x5f: {  	_ =	shalt  }
0x60: {  	_ =	shalt  }
0x61: {  	_ =	shalt  }
0x62: {  	_ =	shalt  }
0x63: {  	_ =	shalt  }
0x64: {  	_ =	shalt  }
0x65: {  	_ =	shalt  }
0x66: {  	_ =	shalt  }
0x67: {  	_ =	shalt  }
0x68: {  	_ =	shalt  }
0x69: {  	_ =	shalt  }
0x6a: {  	_ =	shalt  }
0x6b: {  	_ =	shalt  }
0x6c: {  	_ =	shalt  }
0x6d: {  	_ =	shalt  }
0x6e: {  	_ =	shalt  }
0x6f: {  	_ =	shalt  }
0x70: {  	_ =	shalt  }
0x71: {  	_ =	shalt  }
0x72: {  	_ =	shalt  }
0x73: {  	_ =	shalt  }
0x74: {  	_ =	shalt  }
0x75: {  	_ =	shalt  }
0x76: {  	_ =	shalt  }
0x77: {  	_ =	shalt  }
0x78: {  	_ =	shalt  }
0x79: {  	_ =	shalt  }
0x7a: {  	_ =	shalt  }
0x7b: {  	_ =	shalt  }
0x7c: {  	_ =	shalt  }
0x7d: {  	_ =	shalt  }
0x7e: {  	_ =	shalt  }
0x7f: {  	_ =	shalt  }
0x80: {  	_ =	shalt  }
0x81: {  	_ =	shalt  }
0x82: {  	_ =	shalt  }
0x83: {  	_ =	shalt  }
0x84: {  	_ =	shalt  }
0x85: {  	_ =	shalt  }
0x86: {  	_ =	shalt  }
0x87: {  	_ =	shalt  }
.Lfunc_end0:
.L_simem_size_0:
called_computation.2_lowered:
.L_overlay_start_0:
0x88: {  	s2 =	sld [smem:$0x3FD9]  }
0x89: {  	s3 =	sld [smem:$0x3FFE];
	_ =	sdelay $0x1  }
0x8a: {  	s1 =	srdreg.scid  }
0x8b: {  	s0 =	sand.u32 $0x1, s1  }
0x8c: {  	s17 =	sshll.u32 s0, $0xA;
	s2 =	sadd.s32 s3, s2  }
0x8d: {  	s2 =	sadd.s32 s2, s17  }
0x8e: {  	[smem:$0x3FC6] =	sst s2  }
0x8f: {  	_ = 	snop  }
0x90: {  	s2 =	sld [smem:$0x3FD0];
	(tm) =	ssettm $0x1  }
0x91: {  	s18 =	sld [smem:$0x3FFB];
	_ =	sdelay $0x3  }
0x92: {  	_ =	strace s18  }
0x93: {  	s3 =	sld [smem:$0x3FFC];
	_ =	sdelay $0x3  }
0x94: {  	_ =	strace s3  }
0x95: {  	s3 =	sld [smem:$0x3FFD];
	_ =	sdelay $0x3  }
0x96: {  	_ =	strace s3  }
0x97: {  	_ =	strace $0x8FFFFFFF  }
0x98: {  	s19 =	sld [smem:$0x3FDB];
	_ =	sdelay $0x1  }
0x99: {  	s4 =	simm.s32 $_scs_section_size  }
0x9a: {  	s5 =	simm.s32 $_size__tile_overlayer_lowered;
	s6 =	simm.s32 $_tile_overlayer_lowered  }
0x9b: {  	s22 =	simm.s32 $0x1BFF;
	s21 =	sshll.u32 s6, $0x1;
	s3 =	sadd.s32 s4, s19  }
0x9c: {  	s7 =	simm.s32 $0x0;
	s20 =	sshll.u32 s5, $0x1;
	s5 =	sadd.s32 s21, s3  }
0x9d: {  	[timem:s7], [sflag:s22] =	dma.local [hbm:s5], s20  }
0x9e: {  	_ =	swait.ge [sflag:s22], s20  }
0x9f: {  	s4 =	ssub.s32 $0x0, s20;
	[sflag:s22] =	ssyncset.done $0x0  }
0xa0: {  	[sflag:s22] =	ssyncadd.s32 s4;
	_ =	sdelay $0x1  }
0xa1: {  	s23 =	simm.s32 $0x1B8B  }
0xa2: {  	_ =	swait.ge [sflag:s23], $0x1  }
0xa3: {  	[sflag:s23] =	ssyncset.done $0x0  }
0xa4: {  	s25 =	simm.s32 $0x1B8E;
	s24 =	sld [smem:$0x3FFE];
	[sflag:s23] =	ssyncadd.s32 $0xFFFFFFFF  }
0xa5: {  	s26 =	simm.s32 $execute0_lowered;
	[smem:$0x3FD2] =	sst s25  }
0xa6: {  	s5 =	sshll.u32 s26, $0x1;
	_ =	strace $0x80000046;
	[dreg:$0x1] =	wrdreg $0xFFFFFFFF  }
0xa7: {  	s28 =	simm.s32 $_size_execute0_lowered;
	s3 =	sadd.s32 s3, s5;
	[dreg:$0x0] =	wrdreg $0x0  }
0xa8: {  	s5 =	sshll.u32 s28, $0x1;
	[dreg:$0x2] =	wrdreg s3  }
0xa9: {  	[dreg:$0x3] =	wrdreg s5  }
0xaa: {  	[dreg:$0x4] =	wrdreg $0xC0  }
0xab: {  	_ =	task [dreg:s7], $0x5FFFF  }
0xac: {  	[dreg:$0x1] =	wrdreg $0xFFFFFFFF  }
0xad: {  	[dreg:$0x0] =	wrdreg $0x60  }
0xae: {  	[dreg:$0x2] =	wrdreg s24  }
0xaf: {  	[dreg:$0x3] =	wrdreg s2  }
0xb0: {  	[dreg:$0x4] =	wrdreg $0x108000  }
0xb1: {  	[dreg:$0x5] =	wrdreg $0x9  }
0xb2: {  	_ =	task.clear_ibuf [dreg:s7], $0x6FFFF;
	_ =	strace $0x90000046  }
0xb3: {  	s29 =	simm.s32 $0x9;
	_ =	strace $0x80000048  }
0xb4: {  	_ =	swait.ge [sflag:s29], $0x1  }
0xb5: {  	[sflag:s29] =	ssyncadd.s32 $0xFFFFFFFF  }
0xb6: {  	_ =	strace $0x90000048  }
0xb7: {  	_ =	sfence  }
0xb8: {  	s30 =	sld [smem:$0x0];
	_ =	sdelay $0x2  }
0xb9: {  	s31 =	sshll.u32 s1, $0xD;
	s1 =	sshrl.u32 s1, $0x2  }
0xba: {  	s3 =	sand.u32 $0x4000, s31;
	s1 =	sadd.s32 s1, s30  }
0xbb: {  	s0 =	sor.u32 s3, s0;
	s1 =	sshll.u32 s1, $0x11  }
0xbc: {  	s0 =	sor.u32 s1, s0  }
0xbd: {  	s0 =	sadd.s32 $0x8F2B, s0  }
0xbe: {  	[sflag:s0] =	ssyncadd.remote.s32 $0x1  }
0xbf: {  	_ =	sfence.sel $0xFFFF  }
0xc0: {  	[dreg:$0x0] =	wrdreg $0xFFFFFFFF;
	(pc) =	sbr.abs _section_cstart, $3  }
0xc1: {  	[dreg:$0x1] =	wrdreg $0xFFFFFFFF  }
0xc2: {  	_ =	task.clear_ibuf [dreg:s7], $0x2FFFF;
	_ =	strace $0x9FFFFFFF  }
0xc3: {  	(tm) =	ssettm $0x7FFFFFFF  }
tec
execute0_lowered:
.L_overlay_start_1:
0x0: {  	(tag) =	ssettag $0x1  }
0x1: {  	s0 =	rddreg [dreg:$0x0];
	s1 =	srdreg.scid  }
0x2: {  	s3 =	stileid.u32;
	s8 =	rddreg [dreg:$0x1];
	s2 =	simm.s32 $0x0  }
0x3: {  	s14 =	simm.s32 $0x8800;
	s15 =	simm.s32 $0x600;
	s16 =	simm.s32 $0xC800  }
0x4: {  	s17 =	simm.s32 $0x1;
	s7 =	sand.u32 $0x1, s1;
	s1 =	rddreg [dreg:$0x2]  }
0x5: {  	s31 =	simm.s32 $0x4800;
	s4 =	smul.u32 $0x19000, s3;
	[smem:$0x7FF] =	sst s2  }
0x6: {  	s10 =	sadd.s32 $0x6000, s0;
	s0 =	sadd.s32 $0x5000, s0;
	s12 =	smul.u32 $0x64000, s3  }
0x7: {  	p0 =	sne.s32 s3, $0x0;
	s5 =	smul.u32 $0xC800, s7;
	s6 =	ssub.s32 $0x2, s7  }
0x8: {  	_ =	strace $0x80000047;
	[dreg:$0x9] =	wrdreg s0;
	s13 =	smul.u32 $0x32000, s7  }
0x9: {  	[dreg:$0x8] =	wrdreg s31;
	s18 =	sshrl.u32 s6, $0x1;
	s29 =	sadd.s32 s12, s8  }
0xa: {  	s12 =	simm.s32 $0x800;
	s9 =	sadd.s32 s5, s4;
	s4 =	ssub.s32 s6, s18  }
0xb: {  	s18 =	simm.s32 $0x2;
	s5 =	sor.u32 $0x400, s9;
	s20 =	smax.u32 s4, $0x1  }
0xc: {  	s23 =	sor.u32 $0x200, s9;
	s26 =	sor.u32 $0x600, s9;
	s30 =	sshrl.u32 s9, $0x3  }
0xd: {  	s19 =	sshll.u32 s5, $0x2;
	[dreg:$0xa] =	wrdreg s20;
	s22 =	sshrl.u32 s5, $0x3  }
0xe: {  	s24 =	sshrl.u32 s23, $0x3;
	s11 =	sshll.u32 s23, $0x2;
	s28 =	sshll.u32 s26, $0x2  }
0xf: {  	s20 =	simm.s32 $0x4;
	s23 =	simm.s32 $0x7;
	s21 =	sadd.s32 s19, s8  }
0x10: {  	s5 =	sadd.s32 s22, s10;
	s6 =	sadd.s32 s24, s10;
	s25 =	sadd.s32 s11, s8  }
0x11: {  	s0 =	sadd.s32 s28, s8;
	s11 =	sshrl.u32 s26, $0x3;
	[dreg:$0x4] =	wrdreg s21  }
0x12: {  	s8 =	sadd.s32 s30, s10;
	s19 =	simm.s32 $0x3;
	[dreg:$0x5] =	wrdreg s25  }
0x13: {  	s22 =	simm.s32 $0x6;
	s24 =	simm.s32 $0x8;
	[dreg:$0x6] =	wrdreg s0  }
0x14: {  	s7 =	sadd.s32 s11, s10;
	s0 =	sadd.s32 s13, s29;
	s10 =	simm.s32 $0x9  }
0x15: {  	s11 =	simm.s32 $0x200;
	[dreg:$0x7] =	wrdreg s0;
	s0 =	sshrl.u32 @!p0 s1, $0x3  }
0x16: {  	s13 =	simm.s32 $0x400;
	s25 =	simm.s32 $0x0;
	[dreg:$0xb] =	wrdreg s0  }
.LBB2_1:
0x17: {  	s3 =	rddreg [dreg:$0x9]  }
0x18: {  	s0 =	simm.s32 @!p0 $0x1C09;
	s4 =	rddreg [dreg:$0xb]  }
0x19: {  	[spmem:s4], [sflag:s0] =	dma.local @!p0 [hbm:s3], $0xFA0  }
0x1a: {  	s0 =	simm.s32 @!p0 $0x9  }
0x1b: {  	_ =	swait.ge @!p0 [sflag:s0], $0xFA0  }
0x1c: {  	p1 =	por $0x1, $0x1;
	[sflag:s0] =	ssyncset.done @!p0 $0x0  }
0x1d: {  	p1 =	por p1, p1;
	[sflag:s0] =	ssyncadd.s32 @!p0 $0xFFFFF060  }
0x1e: {  	s0 =	simm.s32 @!p1 $0x5;
	[bflag:$0x0] =	sbarrier.arrive $0xFFFF  }
0x1f: {  	_ =	swait.ge @!p1 [sflag:s0], $0x4000  }
0x20: {  	[sflag:s0] =	ssyncset.done @!p1 $0x0  }
0x21: {  	[sflag:s0] =	ssyncadd.s32 @!p1 $0xFFFFC000  }
0x22: {  	[tilespmem:s2], [sflag:$0x9] =	stream.linear.gather [hbm4b:s8+s2], $0x200, $0x38;
	[tilespmem:$0x10FD0] =	vst v63  }
0x23: {  	_ =	swait.ge [sflag:s10], $0x200  }
0x24: {  	[sflag:s10] =	ssyncset.done $0x0  }
0x25: {  	[sflag:s10] =	ssyncadd.s32 $0xFFFFFE00  }
0x26: {  	[tilespmem:s12], [sflag:$0x1] =	stream.indirect.gather [spmem:s1], $0x20, s2, s11, $0xb8;
	[tilespmem:$0x10FD0] =	vst v63  }
0x27: {  	s3 =	simm.s32 @p1 $0x200;
	s26 =	simm.s32 @p1 $0x9;
	s0 =	simm.s32 @p1 $0x0  }
0x28: {  	[tilespmem:s3], [sflag:$0x9] =	stream.linear.gather @p1 [hbm4b:s6+s0], $0x200, $0x38;
	[tilespmem:$0x10FD0] =	vst v63  }
0x29: {  	_ =	swait.ge @p1 [sflag:s26], $0x200  }
0x2a: {  	[sflag:s26] =	ssyncset.done @p1 $0x0  }
0x2b: {  	s0 =	simm.s32 @p1 $0x4800;
	[sflag:s26] =	ssyncadd.s32 @p1 $0xFFFFFE00;
	s26 =	simm.s32 @!p1 $0x6  }
0x2c: {  	[tilespmem:s0], [sflag:$0x2] =	stream.indirect.gather @p1 [spmem:s1], $0x20, s3, s3, $0xb8;
	[tilespmem:$0x10FD0] =	vst v63  }
0x2d: {  	_ =	swait.ge @!p1 [sflag:s26], $0x4000  }
0x2e: {  	s0 =	simm.s32 @!p1 $0x9;
	[sflag:s26] =	ssyncset.done @!p1 $0x0  }
0x2f: {  	s3 =	simm.s32 @!p1 $0x0;
	[sflag:s26] =	ssyncadd.s32 @!p1 $0xFFFFC000;
	s26 =	simm.s32 @!p1 $0x200  }
0x30: {  	[tilespmem:s26], [sflag:$0x9] =	stream.linear.gather @!p1 [hbm4b:s6+s3], $0x200, $0x38;
	[tilespmem:$0x10FD0] =	vst v63  }
0x31: {  	_ =	swait.ge @!p1 [sflag:s0], $0x200  }
0x32: {  	[sflag:s0] =	ssyncset.done @!p1 $0x0  }
0x33: {  	s3 =	simm.s32 @!p1 $0x7;
	[sflag:s0] =	ssyncadd.s32 @!p1 $0xFFFFFE00;
	s0 =	simm.s32 @!p1 $0x4800  }
0x34: {  	[tilespmem:s0], [sflag:$0x2] =	stream.indirect.gather @!p1 [spmem:s1], $0x20, s26, s26, $0xb8;
	[tilespmem:$0x10FD0] =	vst v63  }
0x35: {  	_ =	swait.ge @!p1 [sflag:s3], $0x4000  }
0x36: {  	[sflag:s3] =	ssyncset.done @!p1 $0x0  }
0x37: {  	[sflag:s3] =	ssyncadd.s32 @!p1 $0xFFFFC000  }
0x38: {  	[tilespmem:s13], [sflag:$0x9] =	stream.linear.gather [hbm4b:s5+s2], $0x200, $0x38;
	[tilespmem:$0x10FD0] =	vst v63  }
0x39: {  	_ =	swait.ge [sflag:s10], $0x200  }
0x3a: {  	[sflag:s10] =	ssyncset.done $0x0  }
0x3b: {  	s0 =	simm.s32 @!p1 $0x8;
	[sflag:s10] =	ssyncadd.s32 $0xFFFFFE00  }
0x3c: {  	[tilespmem:s14], [sflag:$0x3] =	stream.indirect.gather [spmem:s1], $0x20, s13, s11, $0xb8;
	[tilespmem:$0x10FD0] =	vst v63  }
0x3d: {  	_ =	swait.ge @!p1 [sflag:s0], $0x4000  }
0x3e: {  	[sflag:s0] =	ssyncset.done @!p1 $0x0  }
0x3f: {  	[sflag:s0] =	ssyncadd.s32 @!p1 $0xFFFFC000  }
0x40: {  	[tilespmem:s15], [sflag:$0x9] =	stream.linear.gather [hbm4b:s7+s2], $0x200, $0x38;
	[tilespmem:$0x10FD0] =	vst v63  }
0x41: {  	_ =	swait.ge [sflag:s10], $0x200  }
0x42: {  	[sflag:s10] =	ssyncset.done $0x0  }
0x43: {  	[sflag:s10] =	ssyncadd.s32 $0xFFFFFE00  }
0x44: {  	[tilespmem:s16], [sflag:$0x4] =	stream.indirect.gather [spmem:s1], $0x20, s15, s11, $0xb8;
	[tilespmem:$0x10FD0] =	vst v63  }
0x45: {  	_ =	swait.ge [sflag:s17], $0x4000  }
0x46: {  	s26 =	rddreg [dreg:$0x7];
	[sflag:s17] =	ssyncset.done $0x0  }
0x47: {  	[sflag:s17] =	ssyncadd.s32 $0xFFFFC000;
	s0 =	sadd.s32 $0x0, s26  }
0x48: {  	[hbm4b:s0+s2] =	stream.linear.scatter [tilespmem:s12], [sflag:$0x5], $0x4000, $0x38;
	[tilespmem:$0x10FD0] =	vst v63  }
0x49: {  	_ =	swait.ge [sflag:s18], $0x4000  }
0x4a: {  	s3 =	rddreg [dreg:$0x5];
	[sflag:s18] =	ssyncset.done $0x0  }
0x4b: {  	s4 =	rddreg [dreg:$0x8];
	[sflag:s18] =	ssyncadd.s32 $0xFFFFC000;
	s0 =	sadd.s32 $0x0, s3  }
0x4c: {  	[hbm4b:s0+s2] =	stream.linear.scatter [tilespmem:s4], [sflag:$0x6], $0x4000, $0x38;
	[tilespmem:$0x10FD0] =	vst v63  }
0x4d: {  	p6 =	por $0x0, $0x0;
	s28 =	sadd.s32 $0x100, s7;
	_ =	swait.ge [sflag:s19], $0x4000  }
0x4e: {  	s31 =	sadd.s32 $0x100, s8;
	s9 =	rddreg [dreg:$0x4];
	[sflag:s19] =	ssyncset.done $0x0  }
0x4f: {  	s29 =	sadd.s32 $0x100, s5;
	[sflag:s19] =	ssyncadd.s32 $0xFFFFC000;
	s0 =	sadd.s32 $0x0, s9  }
0x50: {  	[hbm4b:s0+s2] =	stream.linear.scatter [tilespmem:s14], [sflag:$0x7], $0x4000, $0x38;
	[tilespmem:$0x10FD0] =	vst v63  }
0x51: {  	s30 =	sadd.s32 $0x100, s6;
	p1 =	por p6, p6;
	_ =	swait.ge [sflag:s20], $0x4000  }
0x52: {  	s26 =	simm.s32 $0x2000;
	s21 =	rddreg [dreg:$0x6];
	[sflag:s20] =	ssyncset.done $0x0  }
0x53: {  	s0 =	simm.s32 $0x4000;
	[sflag:s20] =	ssyncadd.s32 $0xFFFFC000;
	s3 =	sadd.s32 $0x0, s21  }
.LBB2_2:
0x54: {  	[hbm4b:s3+s2] =	stream.linear.scatter [tilespmem:s16], [sflag:$0x8], $0x4000, $0x38;
	[tilespmem:$0x10FD0] =	vst v63  }
0x55: {  	s4 =	simm.s32 @!p1 $0x5  }
0x56: {  	_ =	swait.ge @!p1 [sflag:s4], $0x4000  }
0x57: {  	[sflag:s4] =	ssyncset.done @!p1 $0x0  }
0x58: {  	[sflag:s4] =	ssyncadd.s32 @!p1 $0xFFFFC000  }
0x59: {  	[tilespmem:s2], [sflag:$0x9] =	stream.linear.gather [hbm4b:s31+s2], $0x200, $0x38;
	[tilespmem:$0x10FD0] =	vst v63  }
0x5a: {  	_ =	swait.ge [sflag:s10], $0x200  }
0x5b: {  	[sflag:s10] =	ssyncset.done $0x0  }
0x5c: {  	[sflag:s10] =	ssyncadd.s32 $0xFFFFFE00  }
0x5d: {  	[tilespmem:s12], [sflag:$0x1] =	stream.indirect.gather [spmem:s1], $0x20, s2, s11, $0xb8;
	[tilespmem:$0x10FD0] =	vst v63  }
0x5e: {  	s9 =	simm.s32 @p1 $0x200;
	s21 =	simm.s32 @p1 $0x9;
	s4 =	simm.s32 @p1 $0x0  }
0x5f: {  	[tilespmem:s9], [sflag:$0x9] =	stream.linear.gather @p1 [hbm4b:s30+s4], $0x200, $0x38;
	[tilespmem:$0x10FD0] =	vst v63  }
0x60: {  	_ =	swait.ge @p1 [sflag:s21], $0x200  }
0x61: {  	[sflag:s21] =	ssyncset.done @p1 $0x0  }
0x62: {  	s4 =	simm.s32 @p1 $0x4800;
	[sflag:s21] =	ssyncadd.s32 @p1 $0xFFFFFE00;
	s21 =	simm.s32 @!p1 $0x6  }
0x63: {  	[tilespmem:s4], [sflag:$0x2] =	stream.indirect.gather @p1 [spmem:s1], $0x20, s9, s9, $0xb8;
	[tilespmem:$0x10FD0] =	vst v63  }
0x64: {  	_ =	swait.ge @!p1 [sflag:s21], $0x4000  }
0x65: {  	s4 =	simm.s32 @!p1 $0x9;
	[sflag:s21] =	ssyncset.done @!p1 $0x0  }
0x66: {  	s9 =	simm.s32 @!p1 $0x0;
	[sflag:s21] =	ssyncadd.s32 @!p1 $0xFFFFC000;
	s21 =	simm.s32 @!p1 $0x200  }
0x67: {  	[tilespmem:s21], [sflag:$0x9] =	stream.linear.gather @!p1 [hbm4b:s30+s9], $0x200, $0x38;
	[tilespmem:$0x10FD0] =	vst v63  }
0x68: {  	_ =	swait.ge @!p1 [sflag:s4], $0x200  }
0x69: {  	[sflag:s4] =	ssyncset.done @!p1 $0x0  }
0x6a: {  	s9 =	simm.s32 @!p1 $0x7;
	[sflag:s4] =	ssyncadd.s32 @!p1 $0xFFFFFE00;
	s4 =	simm.s32 @!p1 $0x4800  }
0x6b: {  	[tilespmem:s4], [sflag:$0x2] =	stream.indirect.gather @!p1 [spmem:s1], $0x20, s21, s21, $0xb8;
	[tilespmem:$0x10FD0] =	vst v63  }
0x6c: {  	_ =	swait.ge @!p1 [sflag:s9], $0x4000  }
0x6d: {  	[sflag:s9] =	ssyncset.done @!p1 $0x0  }
0x6e: {  	[sflag:s9] =	ssyncadd.s32 @!p1 $0xFFFFC000  }
0x6f: {  	[tilespmem:s13], [sflag:$0x9] =	stream.linear.gather [hbm4b:s29+s2], $0x200, $0x38;
	[tilespmem:$0x10FD0] =	vst v63  }
0x70: {  	_ =	swait.ge [sflag:s10], $0x200  }
0x71: {  	[sflag:s10] =	ssyncset.done $0x0  }
0x72: {  	s4 =	simm.s32 @!p1 $0x8;
	[sflag:s10] =	ssyncadd.s32 $0xFFFFFE00  }
0x73: {  	[tilespmem:s14], [sflag:$0x3] =	stream.indirect.gather [spmem:s1], $0x20, s13, s11, $0xb8;
	[tilespmem:$0x10FD0] =	vst v63  }
0x74: {  	_ =	swait.ge @!p1 [sflag:s4], $0x4000  }
0x75: {  	[sflag:s4] =	ssyncset.done @!p1 $0x0  }
0x76: {  	[sflag:s4] =	ssyncadd.s32 @!p1 $0xFFFFC000  }
0x77: {  	[tilespmem:s15], [sflag:$0x9] =	stream.linear.gather [hbm4b:s28+s2], $0x200, $0x38;
	[tilespmem:$0x10FD0] =	vst v63  }
0x78: {  	_ =	swait.ge [sflag:s10], $0x200  }
0x79: {  	[sflag:s10] =	ssyncset.done $0x0  }
0x7a: {  	[sflag:s10] =	ssyncadd.s32 $0xFFFFFE00  }
0x7b: {  	[tilespmem:s16], [sflag:$0x4] =	stream.indirect.gather [spmem:s1], $0x20, s15, s11, $0xb8;
	[tilespmem:$0x10FD0] =	vst v63  }
0x7c: {  	_ =	swait.ge [sflag:s17], $0x4000  }
0x7d: {  	s3 =	smov.u32 s26;
	s21 =	rddreg [dreg:$0x7];
	[sflag:s17] =	ssyncset.done $0x0  }
0x7e: {  	[sflag:s17] =	ssyncadd.s32 $0xFFFFC000;
	s4 =	sadd.s32 s3, s21  }
0x7f: {  	[hbm4b:s4+s2] =	stream.linear.scatter [tilespmem:s12], [sflag:$0x5], $0x4000, $0x38;
	[tilespmem:$0x10FD0] =	vst v63  }
0x80: {  	s26 =	smov.u32 s0;
	_ =	swait.ge [sflag:s18], $0x4000  }
0x81: {  	s0 =	sadd.s32 $0x2000, s0;
	s9 =	rddreg [dreg:$0x5];
	[sflag:s18] =	ssyncset.done $0x0  }
0x82: {  	s21 =	rddreg [dreg:$0x8];
	[sflag:s18] =	ssyncadd.s32 $0xFFFFC000;
	s4 =	sadd.s32 s3, s9  }
0x83: {  	[hbm4b:s4+s2] =	stream.linear.scatter [tilespmem:s21], [sflag:$0x6], $0x4000, $0x38;
	[tilespmem:$0x10FD0] =	vst v63  }
0x84: {  	p3 =	seq.s32 s26, $0x0;
	p2 =	sne.s32 s0, $0x32000;
	_ =	swait.ge [sflag:s19], $0x4000  }
0x85: {  	s31 =	sadd.s32 $0x100, s31;
	s9 =	rddreg [dreg:$0x4];
	[sflag:s19] =	ssyncset.done $0x0  }
.Ltmp0:
0x86: {  	[sflag:s19] =	ssyncadd.s32 $0xFFFFC000;
	s4 =	sadd.s32 s3, s9;
	(pc) =	sbr.rel @p2 .LBB2_2-.Ltmp0, $4  }
0x87: {  	[hbm4b:s4+s2] =	stream.linear.scatter [tilespmem:s14], [sflag:$0x7], $0x4000, $0x38;
	[tilespmem:$0x10FD0] =	vst v63  }
0x88: {  	s30 =	sadd.s32 $0x100, s30;
	s29 =	sadd.s32 $0x100, s29;
	_ =	swait.ge [sflag:s20], $0x4000  }
0x89: {  	p1 =	por p3, p3;
	[sflag:s20] =	ssyncset.done $0x0;
	s21 =	rddreg [dreg:$0x6]  }
0x8a: {  	s28 =	sadd.s32 $0x100, s28;
	[sflag:s20] =	ssyncadd.s32 $0xFFFFC000;
	s3 =	sadd.s32 s3, s21  }
0x8b: {  	[hbm4b:s3+s2] =	stream.linear.scatter [tilespmem:s16], [sflag:$0x8], $0x4000, $0x38;
	[tilespmem:$0x10FD0] =	vst v63  }
0x8c: {  	s0 =	simm.s32 @!p1 $0x5  }
0x8d: {  	_ =	swait.ge @!p1 [sflag:s0], $0x4000  }
0x8e: {  	[sflag:s0] =	ssyncset.done @!p1 $0x0  }
0x8f: {  	[sflag:s0] =	ssyncadd.s32 @!p1 $0xFFFFC000  }
0x90: {  	[tilespmem:s2], [sflag:$0x9] =	stream.linear.gather [hbm4b:s31+s2], $0x200, $0x38;
	[tilespmem:$0x10FD0] =	vst v63  }
0x91: {  	_ =	swait.ge [sflag:s10], $0x200  }
0x92: {  	[sflag:s10] =	ssyncset.done $0x0  }
0x93: {  	[sflag:s10] =	ssyncadd.s32 $0xFFFFFE00  }
0x94: {  	[tilespmem:s12], [sflag:$0x1] =	stream.indirect.gather [spmem:s1], $0x20, s2, s11, $0xb8;
	[tilespmem:$0x10FD0] =	vst v63  }
0x95: {  	s3 =	simm.s32 @p1 $0x200;
	s4 =	simm.s32 @p1 $0x9;
	s0 =	simm.s32 @p1 $0x0  }
0x96: {  	[tilespmem:s3], [sflag:$0x9] =	stream.linear.gather @p1 [hbm4b:s30+s0], $0x200, $0x38;
	[tilespmem:$0x10FD0] =	vst v63  }
0x97: {  	_ =	swait.ge @p1 [sflag:s4], $0x200  }
0x98: {  	[sflag:s4] =	ssyncset.done @p1 $0x0  }
0x99: {  	s0 =	simm.s32 @p1 $0x4800;
	[sflag:s4] =	ssyncadd.s32 @p1 $0xFFFFFE00;
	s4 =	simm.s32 @!p1 $0x6  }
0x9a: {  	[tilespmem:s0], [sflag:$0x2] =	stream.indirect.gather @p1 [spmem:s1], $0x20, s3, s3, $0xb8;
	[tilespmem:$0x10FD0] =	vst v63  }
0x9b: {  	_ =	swait.ge @!p1 [sflag:s4], $0x4000  }
0x9c: {  	s0 =	simm.s32 @!p1 $0x9;
	[sflag:s4] =	ssyncset.done @!p1 $0x0  }
0x9d: {  	s3 =	simm.s32 @!p1 $0x0;
	[sflag:s4] =	ssyncadd.s32 @!p1 $0xFFFFC000;
	s4 =	simm.s32 @!p1 $0x200  }
0x9e: {  	[tilespmem:s4], [sflag:$0x9] =	stream.linear.gather @!p1 [hbm4b:s30+s3], $0x200, $0x38;
	[tilespmem:$0x10FD0] =	vst v63  }
0x9f: {  	_ =	swait.ge @!p1 [sflag:s0], $0x200  }
0xa0: {  	[sflag:s0] =	ssyncset.done @!p1 $0x0  }
0xa1: {  	s3 =	simm.s32 @!p1 $0x7;
	[sflag:s0] =	ssyncadd.s32 @!p1 $0xFFFFFE00;
	s0 =	simm.s32 @!p1 $0x4800  }
0xa2: {  	[tilespmem:s0], [sflag:$0x2] =	stream.indirect.gather @!p1 [spmem:s1], $0x20, s4, s4, $0xb8;
	[tilespmem:$0x10FD0] =	vst v63  }
0xa3: {  	_ =	swait.ge @!p1 [sflag:s3], $0x4000  }
0xa4: {  	[sflag:s3] =	ssyncset.done @!p1 $0x0  }
0xa5: {  	[sflag:s3] =	ssyncadd.s32 @!p1 $0xFFFFC000  }
0xa6: {  	[tilespmem:s13], [sflag:$0x9] =	stream.linear.gather [hbm4b:s29+s2], $0x200, $0x38;
	[tilespmem:$0x10FD0] =	vst v63  }
0xa7: {  	_ =	swait.ge [sflag:s10], $0x200  }
0xa8: {  	[sflag:s10] =	ssyncset.done $0x0  }
0xa9: {  	s0 =	simm.s32 @!p1 $0x8;
	[sflag:s10] =	ssyncadd.s32 $0xFFFFFE00  }
0xaa: {  	[tilespmem:s14], [sflag:$0x3] =	stream.indirect.gather [spmem:s1], $0x20, s13, s11, $0xb8;
	[tilespmem:$0x10FD0] =	vst v63  }
0xab: {  	_ =	swait.ge @!p1 [sflag:s0], $0x4000  }
0xac: {  	[sflag:s0] =	ssyncset.done @!p1 $0x0  }
0xad: {  	[sflag:s0] =	ssyncadd.s32 @!p1 $0xFFFFC000  }
0xae: {  	[tilespmem:s15], [sflag:$0x9] =	stream.linear.gather [hbm4b:s28+s2], $0x200, $0x38;
	[tilespmem:$0x10FD0] =	vst v63  }
0xaf: {  	_ =	swait.ge [sflag:s10], $0x200  }
0xb0: {  	[sflag:s10] =	ssyncset.done $0x0  }
0xb1: {  	[sflag:s10] =	ssyncadd.s32 $0xFFFFFE00  }
0xb2: {  	[tilespmem:s16], [sflag:$0x4] =	stream.indirect.gather [spmem:s1], $0x20, s15, s11, $0xb8;
	[tilespmem:$0x10FD0] =	vst v63  }
0xb3: {  	_ =	swait.ge [sflag:s17], $0x4000  }
0xb4: {  	s4 =	rddreg [dreg:$0x7];
	[sflag:s17] =	ssyncset.done $0x0  }
0xb5: {  	[sflag:s17] =	ssyncadd.s32 $0xFFFFC000;
	s0 =	sadd.s32 s26, s4  }
0xb6: {  	[hbm4b:s0+s2] =	stream.linear.scatter [tilespmem:s12], [sflag:$0x5], $0x4000, $0x38;
	[tilespmem:$0x10FD0] =	vst v63  }
0xb7: {  	_ =	swait.ge [sflag:s18], $0x4000  }
0xb8: {  	s9 =	rddreg [dreg:$0x5];
	[sflag:s18] =	ssyncset.done $0x0  }
0xb9: {  	s21 =	rddreg [dreg:$0x8];
	[sflag:s18] =	ssyncadd.s32 $0xFFFFC000;
	s0 =	sadd.s32 s26, s9  }
0xba: {  	[hbm4b:s0+s2] =	stream.linear.scatter [tilespmem:s21], [sflag:$0x6], $0x4000, $0x38;
	[tilespmem:$0x10FD0] =	vst v63  }
0xbb: {  	_ =	swait.ge [sflag:s19], $0x4000  }
0xbc: {  	s28 =	rddreg [dreg:$0x4];
	[sflag:s19] =	ssyncset.done $0x0  }
0xbd: {  	[sflag:s19] =	ssyncadd.s32 $0xFFFFC000;
	s0 =	sadd.s32 s26, s28  }
0xbe: {  	[hbm4b:s0+s2] =	stream.linear.scatter [tilespmem:s14], [sflag:$0x7], $0x4000, $0x38;
	[tilespmem:$0x10FD0] =	vst v63  }
0xbf: {  	_ =	swait.ge [sflag:s20], $0x4000  }
0xc0: {  	s29 =	rddreg [dreg:$0x6];
	[sflag:s20] =	ssyncset.done $0x0  }
0xc1: {  	s30 =	simm.s32 $0x5;
	[sflag:s20] =	ssyncadd.s32 $0xFFFFC000;
	s0 =	sadd.s32 s26, s29  }
0xc2: {  	[hbm4b:s0+s2] =	stream.linear.scatter [tilespmem:s16], [sflag:$0x8], $0x4000, $0x38;
	[tilespmem:$0x10FD0] =	vst v63  }
0xc3: {  	_ =	swait.ge [sflag:s30], $0x4000  }
0xc4: {  	[sflag:s30] =	ssyncset.done $0x0  }
0xc5: {  	[sflag:s30] =	ssyncadd.s32 $0xFFFFC000  }
0xc6: {  	_ =	swait.ge [sflag:s22], $0x4000  }
0xc7: {  	[sflag:s22] =	ssyncset.done $0x0  }
0xc8: {  	[sflag:s22] =	ssyncadd.s32 $0xFFFFC000  }
0xc9: {  	_ =	swait.ge [sflag:s23], $0x4000  }
0xca: {  	[sflag:s23] =	ssyncset.done $0x0  }
0xcb: {  	[sflag:s23] =	ssyncadd.s32 $0xFFFFC000  }
0xcc: {  	_ =	swait.ge [sflag:s24], $0x4000  }
0xcd: {  	s25 =	sadd.s32 $0x1, s25;
	s31 =	rddreg [dreg:$0xa]  }
0xce: {  	p1 =	sne.s32 s25, s31  }
.Ltmp1:
0xcf: {  	_ = 	snop;
	(pc) =	sbr.rel @p1 .LBB2_1-.Ltmp1, $3  }
0xd0: {  	_ =	sdelay $0x1  }
0xd1: {  	[sflag:s24] =	ssyncset.done $0x0  }
0xd2: {  	[sflag:s24] =	ssyncadd.s32 $0xFFFFC000  }
0xd3: {  	_ =	sfence.sel $0x180000  }
0xd4: {  	[bflag:$0x0] =	sbarrier.arrive $0xFFFF  }
0xd5: {  	_ =	strace $0x90000047  }
0xd6: {  	[bflag:$0x2] =	sbarrier.arrive $0xFFFF  }
0xd7: {  	s0 =	rddreg [dreg:$0x3]  }
0xd8: {  	s0 =	sadd.s32 @!p0 $0x100000, s0  }
0xd9: {  	[sflag:s0] =	ssyncadd.tile.s32 @!p0 $0x1;
	_ =	shalt  }
.Lfunc_end2:
_tile_overlayer_lowered:
.L_overlay_start_2:
0xda: {  	(tag) =	ssettag $0x2  }
0xdb: {  	s0 =	rddreg [dreg:$0x0];
	s2 =	stileid.u32  }
0xdc: {  	s1 =	rddreg [dreg:$0x1];
	p0 =	sne.s32 s2, $0x0  }
0xdd: {  	s3 =	rddreg [dreg:$0x2];
	[bflag:$0x3] =	sbarrier.arrive $0xFFFF;
	s2 =	simm.s32 @!p0 $0x1C09  }
0xde: {  	[timem:s3], [sflag:s2] =	dma.local @!p0 [hbm:s0], s1  }
0xdf: {  	s0 =	simm.s32 @!p0 $0x9  }
0xe0: {  	_ =	swait.ge @!p0 [sflag:s0], s1  }
0xe1: {  	s1 =	ssub.s32 @!p0 $0x0, s1;
	[sflag:s0] =	ssyncset.done @!p0 $0x0  }
0xe2: {  	[sflag:s0] =	ssyncadd.s32 @!p0 s1  }
0xe3: {  	[bflag:$0x3] =	sbarrier.arrive $0xFFFF  }
0xe4: {  	_ =	shalt  }

// kernel: sparse-core-data-format-call.1.cloned.1.call-start
scs
called_computation.1_lowered:
.L_overlay_start_0:
0x0: {  	s1 =	sld [smem:$0x3FD9]  }
0x1: {  	s2 =	sld [smem:$0x3FFE];
	_ =	sdelay $0x1  }
0x2: {  	s3 =	srdreg.scid  }
0x3: {  	s0 =	sand.u32 $0x1, s3  }
0x4: {  	s17 =	sshll.u32 s0, $0xA;
	s1 =	sadd.s32 s2, s1  }
0x5: {  	s1 =	sadd.s32 s1, s17  }
0x6: {  	[smem:$0x3FC6] =	sst s1  }
0x7: {  	_ = 	snop  }
0x8: {  	(tm) =	ssettm $0x1  }
0x9: {  	s18 =	sld [smem:$0x3FFB];
	_ =	sdelay $0x3  }
0xa: {  	_ =	strace s18  }
0xb: {  	s1 =	sld [smem:$0x3FFC];
	_ =	sdelay $0x3  }
0xc: {  	_ =	strace s1  }
0xd: {  	s1 =	sld [smem:$0x3FFD];
	_ =	sdelay $0x3  }
0xe: {  	_ =	strace s1  }
0xf: {  	_ =	strace $0x8FFFFFFF  }
0x10: {  	s19 =	sld [smem:$0x3FDB];
	_ =	sdelay $0x1  }
0x11: {  	s20 =	simm.s32 $_scs_section_size  }
0x12: {  	s4 =	simm.s32 $_size__tile_overlayer_lowered;
	s5 =	simm.s32 $_tile_overlayer_lowered  }
0x13: {  	s23 =	simm.s32 $0x1BFF;
	s22 =	sshll.u32 s5, $0x1;
	s1 =	sadd.s32 s20, s19  }
0x14: {  	s6 =	simm.s32 $0x0;
	s21 =	sshll.u32 s4, $0x1;
	s4 =	sadd.s32 s22, s1  }
0x15: {  	[timem:s6], [sflag:s23] =	dma.local [hbm:s4], s21  }
0x16: {  	_ =	swait.ge [sflag:s23], s21  }
0x17: {  	s2 =	ssub.s32 $0x0, s21;
	[sflag:s23] =	ssyncset.done $0x0  }
0x18: {  	[sflag:s23] =	ssyncadd.s32 s2;
	_ =	sdelay $0x1  }
0x19: {  	s24 =	simm.s32 $0x1B8B  }
0x1a: {  	_ =	swait.ge [sflag:s24], $0x1  }
0x1b: {  	[sflag:s24] =	ssyncset.done $0x0  }
0x1c: {  	s26 =	simm.s32 $0x1B8E;
	s25 =	sld [smem:$0x3FFE];
	[sflag:s24] =	ssyncadd.s32 $0xFFFFFFFF  }
0x1d: {  	s27 =	simm.s32 $execute0_lowered;
	[smem:$0x3FD2] =	sst s26  }
0x1e: {  	s4 =	sshll.u32 s27, $0x1;
	_ =	strace $0x80000049;
	[dreg:$0x1] =	wrdreg $0xFFFFFFFF  }
0x1f: {  	s28 =	simm.s32 $_size_execute0_lowered;
	s1 =	sadd.s32 s1, s4;
	[dreg:$0x0] =	wrdreg $0x0  }
0x20: {  	s4 =	sshll.u32 s28, $0x1;
	[dreg:$0x2] =	wrdreg s1  }
0x21: {  	[dreg:$0x3] =	wrdreg s4  }
0x22: {  	[dreg:$0x4] =	wrdreg $0xC0  }
0x23: {  	_ =	task [dreg:s6], $0x5FFFF  }
0x24: {  	[dreg:$0x1] =	wrdreg $0xFFFFFFFF  }
0x25: {  	[dreg:$0x0] =	wrdreg $0x60  }
0x26: {  	[dreg:$0x2] =	wrdreg s25  }
0x27: {  	[dreg:$0x3] =	wrdreg $0x9  }
0x28: {  	_ =	task.clear_ibuf [dreg:s6], $0x4FFFF;
	_ =	strace $0x90000049  }
0x29: {  	s29 =	simm.s32 $0x9;
	_ =	strace $0x8000004B  }
0x2a: {  	_ =	swait.ge [sflag:s29], $0x1  }
0x2b: {  	[sflag:s29] =	ssyncadd.s32 $0xFFFFFFFF  }
0x2c: {  	_ =	strace $0x9000004B  }
0x2d: {  	_ =	sfence  }
0x2e: {  	s30 =	sld [smem:$0x0];
	_ =	sdelay $0x2  }
0x2f: {  	s31 =	sshll.u32 s3, $0xD;
	s3 =	sshrl.u32 s3, $0x2  }
0x30: {  	s2 =	sand.u32 $0x4000, s31;
	s1 =	sadd.s32 s3, s30  }
0x31: {  	s0 =	sor.u32 s2, s0;
	s1 =	sshll.u32 s1, $0x11  }
0x32: {  	s0 =	sor.u32 s1, s0  }
0x33: {  	s0 =	sadd.s32 $0x8F2B, s0  }
0x34: {  	[sflag:s0] =	ssyncadd.remote.s32 $0x1  }
0x35: {  	_ =	sfence.sel $0xFFFF  }
0x36: {  	[dreg:$0x0] =	wrdreg $0xFFFFFFFF;
	(pc) =	sbr.abs _section_cstart, $3  }
0x37: {  	[dreg:$0x1] =	wrdreg $0xFFFFFFFF  }
0x38: {  	_ =	task.clear_ibuf [dreg:s6], $0x2FFFF;
	_ =	strace $0x9FFFFFFF  }
0x39: {  	(tm) =	ssettm $0x7FFFFFFF  }
tec
execute0_lowered:
.L_overlay_start_1:
0x0: {  	(tag) =	ssettag $0x1  }
0x1: {  	s0 =	srdreg.scid  }
0x2: {  	s1 =	sshll.u32 s0, $0x4  }
0x3: {  	s4 =	rddreg [dreg:$0x0];
	s0 =	stileid.u32;
	s1 =	sand.u32 $0x10, s1  }
0x4: {  	s7 =	simm.s32 $0x1;
	s8 =	simm.s32 $0x2;
	s1 =	sor.u32 s0, s1  }
0x5: {  	s11 =	simm.s32 $0x0;
	s10 =	simm.s32 $0x0;
	s2 =	sshll.u32 s1, $0x7  }
0x6: {  	s3 =	sadd.s32 $0x5000, s4;
	s4 =	sadd.s32 $0x1905000, s4;
	s6 =	ssub.s32 $0x190000, s2  }
.Ltmp0:
0x7: {  	s1 =	rddreg [dreg:$0x1];
	s5 =	sand.u32 $0xF80, s6;
	(pc) =	sbr.rel .LBB1_1-.Ltmp0, $4  }
0x8: {  	_ =	strace $0x8000004A;
	s9 =	smov.u32 s2;
	p0 =	sne.s32 s5, $0x0  }
0x9: {  	s6 =	sshrl.u32 s6, $0xC;
	s5 =	simm.s32 $0x1;
	s7 =	simm.s32 @!p0 $0x0  }
0xa: {  	[sflag:s5] =	ssyncpa.u1 $0x0;
	p0 =	por $0x0, $0x0;
	s6 =	sadd.s32 s7, s6  }
0xb: {  	[sflag:s8] =	ssyncpa.u1 $0x0;
	s8 =	simm.s32 $0xC80000;
	s7 =	sadd.s32 $0x1, s6  }
.LBB1_4:
0xc: {  	s14 =	sshll.u32 s11, $0x3  }
0xd: {  	s30 =	sand.u32 $0x7F, s11;
	s15 =	sand.u32 $0xFFFFFC00, s14  }
0xe: {  	s11 =	sor.u32 s30, s15  }
0xf: {  	s15 =	smulhi.u32 $0x51EB851F, s11  }
0x10: {  	s14 =	smulhi.u32 $0x51EB851F, s14  }
0x11: {  	s15 =	sshrl.u32 s15, $0x13  }
0x12: {  	s14 =	sshrl.u32 s14, $0x13;
	s15 =	smul.u32 $0x190000, s15  }
0x13: {  	s14 =	sand.u32 $0x1F, s14  }
0x14: {  	s14 =	smul.u32 $0x32000, s14;
	s11 =	ssub.s32 s11, s15  }
0x15: {  	s15 =	sand.u32 $0x7, s11  }
0x16: {  	s14 =	sadd.s32 s4, s14;
	s11 =	sshrl.u32 s11, $0x3;
	s15 =	sshll.u32 s15, $0x12  }
0x17: {  	[tilespmem:s13+$0x0 ss:$0x81] =	vst.msk $0xffff, v0;
	s11 =	sadd.s32 s11, s14;
	s31 =	sor.u32 $0x400, s15  }
0x18: {  	[hbm4b:s11+s31] =	stream.strided.scatter [tilespmem:s12], [sflag:$0x2], $0x1000, s8, s31, $0x20;
	[tilespmem:$0x4040] =	vst v63  }
.LBB1_5:
0x19: {  	s13 =	sadd.s32 $0x1000, s9  }
0x1a: {  	p2 =	sgt.s32 s13, $0x18FFFF  }
0x1b: {  	s13 =	smov.u32 @p2 s2;
	p2 =	sne.s32 s10, s7  }
.Ltmp1:
0x1c: {  	p1 =	slt.u32 s10, $0x2;
	(pc) =	sbr.rel @!p2 .LBB1_6-.Ltmp1, $4  }
0x1d: {  	s12 =	simm.s32 @!p1 $0x2  }
0x1e: {  	s14 =	sadd.s32 $0x1, s10;
	_ =	swait.ge @!p1 [sflag:s12], $0x1000  }
0x1f: {  	s11 =	smov.u32 s9;
	p0 =	por !p0, !p0;
	[sflag:s12] =	ssyncset.done @!p1 $0x0  }
0x20: {  	s10 =	smov.u32 s14;
	s9 =	smov.u32 s13;
	[sflag:s12] =	ssyncadd.s32 @!p1 $0xFFFFF000  }
.LBB1_1:
0x21: {  	p1 =	sge.u32 s10, s6  }
0x22: {  	s12 =	sand.u32 @!p1 $0x1FFFFFF, s9  }
0x23: {  	s13 =	smulhi.u32 @!p1 $0x147AE15, s12;
	_ =	sdelay $0x1  }
0x24: {  	s13 =	sshrl.u32 @!p1 s13, $0xD  }
0x25: {  	s13 =	smul.u32 @!p1 $0x190000, s13;
	_ =	sdelay $0x1  }
0x26: {  	s31 =	sadd.s32 $0xFFFFFFFF, s10;
	s14 =	sxor.u32 @!p1 $0xFFFFFFFF, s10;
	s12 =	ssub.s32 @!p1 s12, s13  }
0x27: {  	s15 =	simm.s32 @!p1 $0x80;
	s14 =	sshll.u32 @!p1 s14, $0xC;
	s12 =	sshll.u32 @!p1 s12, $0x4  }
0x28: {  	s13 =	sand.u32 @!p1 $0x1000, s14;
	s14 =	simm.s32 @!p1 $0x20;
	s12 =	sadd.s32 @!p1 s3, s12  }
0x29: {  	[tilespmem:s13], [sflag:$0x1] =	stream.strided.gather @!p1 [hbm4b:s12+s14], $0x1000, s15, s14, $0x38;
	[tilespmem:$0x4040] =	vst v63  }
0x2a: {  	p1 =	sge.u32 s31, s6  }
.Ltmp2:
0x2b: {  	_ = 	snop;
	(pc) =	sbr.rel @p1 .LBB1_5-.Ltmp2, $1  }
0x2c: {  	_ =	sdelay $0x3  }
0x2d: {  	s12 =	simm.s32 $0x1  }
0x2e: {  	_ =	swait.ge [sflag:s5], $0x1000;
	s12 =	simm.s32 @!p0 $0x0  }
0x2f: {  	[sflag:s5] =	ssyncset.done $0x0;
	s13 =	sshll.u32 s12, $0xC  }
0x30: {  	[sflag:s5] =	ssyncadd.s32 $0xFFFFF000;
	s16 =	sor.u32 $0x10, s13  }
0x31: {  	s12 =	smul.u32 $0x4080, s12;
	v1 =	vld [tilespmem:s16+$0x0]  }
0x32: {  	s30 =	sand.u32 $0x1, s10;
	v0 =	vld [tilespmem:s16+$0xFFFFFFF0]  }
0x33: {  	s13 =	smul.u32 $0x4080, s30;
	s12 =	sshrl.u32 s12, $0x2  }
0x34: {  	s14 =	sor.u32 $0x2000, s12  }
0x35: {  	s31 =	sshrl.u32 s13, $0x2;
	s13 =	sadd.s32 $0x0, s14  }
0x36: {  	s15 =	simm.s32 $0x4;
	s16 =	sadd.s32 $0x20, s16;
	s12 =	sor.u32 $0x2000, s31;
	[tilespmem:s13+$0x810 ss:$0x81] =	vst.msk $0xffff, v1  }
.LBB1_3:
0x37: {  	v1 =	vld [tilespmem:s16+$0x0];
	p1 =	sne.s32 s15, $0x1FC;
	[tilespmem:s13+$0x0 ss:$0x81] =	vst.msk $0xffff, v0;
	s13 =	smov.u32 s15;
	s15 =	sadd.s32 $0x4, s15  }
.Ltmp3:
0x38: {  	v0 =	vld [tilespmem:s16+$0xFFFFFFF0];
	(pc) =	sbr.rel @p1 .LBB1_3-.Ltmp3, $4  }
0x39: {  	_ = 	snop  }
0x3a: {  	s13 =	sshra.s32 s13, $0x2  }
0x3b: {  	s13 =	sadd.s32 s13, s14  }
0x3c: {  	s16 =	sadd.s32 $0x20, s16;
	[tilespmem:s13+$0x810 ss:$0x81] =	vst.msk $0xffff, v1  }
.Ltmp4:
0x3d: {  	_ = 	snop;
	(pc) =	sbr.rel .LBB1_4-.Ltmp4, $1  }
0x3e: {  	_ =	sdelay $0x3  }
.LBB1_6:
0x3f: {  	_ =	sfence.sel $0x180000  }
0x40: {  	s2 =	simm.s32 $0x1;
	[bflag:$0x0] =	sbarrier.arrive $0xFFFF  }
0x41: {  	s31 =	simm.s32 $0x2;
	[sflag:s2] =	ssyncpa.u1 $0x1  }
0x42: {  	[sflag:s31] =	ssyncpa.u1 $0x1  }
0x43: {  	p0 =	sne.s32 s0, $0x0;
	_ =	strace $0x9000004A  }
0x44: {  	s0 =	sadd.s32 @!p0 $0x100000, s1;
	[bflag:$0x2] =	sbarrier.arrive $0xFFFF  }
0x45: {  	[sflag:s0] =	ssyncadd.tile.s32 @!p0 $0x1;
	_ =	shalt  }
.Lfunc_end1:
_tile_overlayer_lowered:
.L_overlay_start_2:
0x46: {  	(tag) =	ssettag $0x2  }
0x47: {  	s0 =	rddreg [dreg:$0x0];
	s2 =	stileid.u32  }
0x48: {  	s1 =	rddreg [dreg:$0x1];
	p0 =	sne.s32 s2, $0x0  }
0x49: {  	s3 =	rddreg [dreg:$0x2];
	[bflag:$0x3] =	sbarrier.arrive $0xFFFF;
	s2 =	simm.s32 @!p0 $0x1C01  }
0x4a: {  	[timem:s3], [sflag:s2] =	dma.local @!p0 [hbm:s0], s1  }
0x4b: {  	s0 =	simm.s32 @!p0 $0x1  }
0x4c: {  	_ =	swait.ge @!p0 [sflag:s0], s1  }
0x4d: {  	s1 =	ssub.s32 @!p0 $0x0, s1;
	[sflag:s0] =	ssyncset.done @!p0 $0x0  }
0x4e: {  	[sflag:s0] =	ssyncadd.s32 @!p0 s1  }
0x4f: {  	[bflag:$0x3] =	sbarrier.arrive $0xFFFF  }
0x50: {  	_ =	shalt  }

// kernel: sparse-core-data-format-call.cloned.1.call-start
scs
called_computation_lowered:
.L_overlay_start_0:
0x0: {  	s2 =	sld [smem:$0x3FD9]  }
0x1: {  	s3 =	sld [smem:$0x3FFE];
	_ =	sdelay $0x1  }
0x2: {  	s1 =	srdreg.scid  }
0x3: {  	s0 =	sand.u32 $0x1, s1  }
0x4: {  	s18 =	sshll.u32 s0, $0xA;
	s2 =	sadd.s32 s3, s2  }
0x5: {  	s2 =	sadd.s32 s2, s18  }
0x6: {  	[smem:$0x3FC6] =	sst s2  }
0x7: {  	_ = 	snop  }
0x8: {  	s2 =	sld [smem:$0x3FD0];
	(tm) =	ssettm $0x1  }
0x9: {  	s19 =	sld [smem:$0x3FFB];
	_ =	sdelay $0x3  }
0xa: {  	_ =	strace s19  }
0xb: {  	s3 =	sld [smem:$0x3FFC];
	_ =	sdelay $0x3  }
0xc: {  	_ =	strace s3  }
0xd: {  	s3 =	sld [smem:$0x3FFD];
	_ =	sdelay $0x3  }
0xe: {  	_ =	strace s3  }
0xf: {  	_ =	strace $0x8FFFFFFF  }
0x10: {  	s20 =	sld [smem:$0x3FDB];
	_ =	sdelay $0x1  }
0x11: {  	s4 =	simm.s32 $_scs_section_size  }
0x12: {  	s5 =	simm.s32 $_size__tile_overlayer_lowered;
	s6 =	simm.s32 $_tile_overlayer_lowered  }
0x13: {  	s23 =	simm.s32 $0x1BFF;
	s22 =	sshll.u32 s6, $0x1;
	s3 =	sadd.s32 s4, s20  }
0x14: {  	s7 =	simm.s32 $0x0;
	s21 =	sshll.u32 s5, $0x1;
	s5 =	sadd.s32 s22, s3  }
0x15: {  	[timem:s7], [sflag:s23] =	dma.local [hbm:s5], s21  }
0x16: {  	_ =	swait.ge [sflag:s23], s21  }
0x17: {  	s4 =	ssub.s32 $0x0, s21;
	[sflag:s23] =	ssyncset.done $0x0  }
0x18: {  	[sflag:s23] =	ssyncadd.s32 s4;
	_ =	sdelay $0x1  }
0x19: {  	s24 =	simm.s32 $0x1B8B  }
0x1a: {  	_ =	swait.ge [sflag:s24], $0x1  }
0x1b: {  	[sflag:s24] =	ssyncset.done $0x0  }
0x1c: {  	s26 =	simm.s32 $0x1B8E;
	s25 =	sld [smem:$0x3FFE];
	[sflag:s24] =	ssyncadd.s32 $0xFFFFFFFF  }
0x1d: {  	s27 =	simm.s32 $execute0_lowered;
	[smem:$0x3FD2] =	sst s26  }
0x1e: {  	s5 =	sshll.u32 s27, $0x1;
	_ =	strace $0x8000004C;
	[dreg:$0x1] =	wrdreg $0xFFFFFFFF  }
0x1f: {  	s28 =	simm.s32 $_size_execute0_lowered;
	s3 =	sadd.s32 s3, s5;
	[dreg:$0x0] =	wrdreg $0x0  }
0x20: {  	s5 =	sshll.u32 s28, $0x1;
	[dreg:$0x2] =	wrdreg s3  }
0x21: {  	[dreg:$0x3] =	wrdreg s5  }
0x22: {  	[dreg:$0x4] =	wrdreg $0xC0  }
0x23: {  	_ =	task [dreg:s7], $0x5FFFF  }
0x24: {  	[dreg:$0x1] =	wrdreg $0xFFFFFFFF  }
0x25: {  	[dreg:$0x0] =	wrdreg $0x60  }
0x26: {  	[dreg:$0x2] =	wrdreg s25  }
0x27: {  	[dreg:$0x3] =	wrdreg s2  }
0x28: {  	[dreg:$0x4] =	wrdreg $0x9  }
0x29: {  	_ =	task.clear_ibuf [dreg:s7], $0x5FFFF;
	_ =	strace $0x9000004C  }
0x2a: {  	s29 =	simm.s32 $0x9;
	_ =	strace $0x8000004E  }
0x2b: {  	_ =	swait.ge [sflag:s29], $0x1  }
0x2c: {  	[sflag:s29] =	ssyncadd.s32 $0xFFFFFFFF  }
0x2d: {  	_ =	strace $0x9000004E  }
0x2e: {  	_ =	sfence  }
0x2f: {  	s30 =	sld [smem:$0x0];
	_ =	sdelay $0x2  }
0x30: {  	s31 =	sshll.u32 s1, $0xD;
	s1 =	sshrl.u32 s1, $0x2  }
0x31: {  	s3 =	sand.u32 $0x4000, s31;
	s1 =	sadd.s32 s1, s30  }
0x32: {  	s0 =	sor.u32 s3, s0;
	s1 =	sshll.u32 s1, $0x11  }
0x33: {  	s0 =	sor.u32 s1, s0  }
0x34: {  	s0 =	sadd.s32 $0x8F2B, s0  }
0x35: {  	[sflag:s0] =	ssyncadd.remote.s32 $0x1  }
0x36: {  	_ =	sfence.sel $0xFFFF  }
0x37: {  	[dreg:$0x0] =	wrdreg $0xFFFFFFFF;
	(pc) =	sbr.abs _section_cstart, $3  }
0x38: {  	[dreg:$0x1] =	wrdreg $0xFFFFFFFF  }
0x39: {  	_ =	task.clear_ibuf [dreg:s7], $0x2FFFF;
	_ =	strace $0x9FFFFFFF  }
0x3a: {  	(tm) =	ssettm $0x7FFFFFFF  }
0x3b: {  	_ =	shalt  }
tec
execute0_lowered:
.L_overlay_start_1:
0x0: {  	(tag) =	ssettag $0x1  }
0x1: {  	s1 =	rddreg [dreg:$0x0]  }
0x2: {  	s2 =	rddreg [dreg:$0x1]  }
0x3: {  	s0 =	rddreg [dreg:$0x2]  }
0x4: {  	s4 =	srdreg.scid;
	_ =	strace $0x8000004D;
	s6 =	simm.s32 $0x2  }
0x5: {  	s15 =	simm.s32 $0x0;
	p0 =	por $0x0, $0x0;
	s14 =	simm.s32 $0x0  }
0x6: {  	s16 =	simm.s32 $0x0;
	s7 =	simm.s32 $0x0;
	s9 =	simm.s32 $0x0  }
.Ltmp0:
0x7: {  	s10 =	simm.s32 $0x0;
	s11 =	simm.s32 $0x0;
	(pc) =	sbr.rel .LBB1_1-.Ltmp0, $4  }
0x8: {  	s12 =	simm.s32 $0x0;
	s3 =	sadd.s32 $0x1000, s1;
	s4 =	sshll.u32 s4, $0x4  }
0x9: {  	s1 =	stileid.u32;
	s5 =	sand.u32 $0x10, s4;
	s4 =	simm.s32 $0x1  }
0xa: {  	s8 =	simm.s32 $0x0;
	s5 =	sor.u32 s1, s5;
	[sflag:s4] =	ssyncpa.u1 $0x0  }
0xb: {  	[sflag:s6] =	ssyncpa.u1 $0x0;
	s6 =	simm.s32 $0x80000;
	s13 =	smov.u32 s5  }
.LBB1_5:
0xc: {  	p1 =	slt.u32 s8, $0x2;
	s18 =	smov.u32 s16  }
0xd: {  	p2 =	sgt.s32 @!p1 s15, $0x48;
	s17 =	sshra.s32 @!p1 s15, $0x1F;
	p3 =	sgt.s32 @!p1 s16, $0x1F  }
0xe: {  	s19 =	sshra.s32 @!p1 s16, $0x1F;
	p2 =	por !p2, p1;
	s17 =	sand.u32 @!p1 s17, s15  }
0xf: {  	p3 =	por !p3, p1;
	s16 =	sand.u32 @!p1 s19, s16;
	s19 =	sshra.s32 @!p1 s14, $0x1F  }
0x10: {  	s18 =	simm.s32 @p3 $0x1F;
	p3 =	sgt.s32 @!p1 s14, $0x3F80;
	s15 =	simm.s32 @p2 $0x48  }
0x11: {  	s16 =	ssub.s32 @!p1 s18, s16;
	p3 =	por !p3, p1;
	s18 =	smov.u32 s14  }
0x12: {  	s14 =	sand.u32 @!p1 s19, s14;
	s15 =	ssub.s32 @!p1 s15, s17;
	s18 =	simm.s32 @p3 $0x3F80  }
0x13: {  	s17 =	sadd.s32 @!p1 $0xFFFFFFE1, s16;
	s16 =	ssub.s32 @!p1 $0x20, s16;
	s14 =	ssub.s32 @!p1 s18, s14  }
0x14: {  	s18 =	sadd.s32 @!p1 $0xFFFFFFB8, s15;
	p2 =	sgt.s32 @!p1 s17, $0x0;
	s17 =	sadd.s32 @!p1 $0xFFFFC080, s14  }
0x15: {  	s15 =	ssub.s32 @!p1 $0xC8, s15;
	p2 =	por !p2, p1;
	p3 =	sgt.s32 @!p1 s17, $0x7F  }
0x16: {  	s14 =	ssub.s32 @!p1 $0x4000, s14;
	s16 =	simm.s32 @!p2 $0x0;
	p2 =	por !p3, p1  }
0x17: {  	s17 =	sadd.s32 $0x80, s11;
	p3 =	sgt.s32 @!p1 s18, $0x7F;
	s14 =	simm.s32 @!p2 $0x0  }
0x18: {  	s18 =	smov.u32 s12;
	p2 =	por !p3, p1;
	s14 =	smul.u32 @!p1 s16, s14  }
0x19: {  	s15 =	simm.s32 @!p2 $0x0;
	p2 =	sgt.s32 s17, $0xC7;
	s16 =	sadd.s32 $0x80, s12  }
0x1a: {  	s19 =	smov.u32 s13;
	s18 =	smov.u32 @p2 s16  }
0x1b: {  	s14 =	smul.u32 @!p1 s15, s14;
	p3 =	sgt.s32 s18, $0x3FFF;
	s15 =	sadd.s32 $0x20, s13  }
0x1c: {  	s8 =	sadd.s32 $0x1, s8;
	p0 =	por !p0, !p0;
	s19 =	smov.u32 @p3 s15  }
0x1d: {  	s20 =	simm.s32 @!p1 $0x2;
	s17 =	simm.s32 @p2 $0x0;
	p2 =	sgt.s32 s19, $0x1F  }
0x1e: {  	s16 =	smov.u32 s10;
	s19 =	smov.u32 @p2 s5;
	p2 =	sne.s32 s8, $0x102  }
.Ltmp1:
0x1f: {  	s10 =	smov.u32 s13;
	s18 =	simm.s32 @p3 $0x0;
	(pc) =	sbr.rel @!p2 .LBB1_6-.Ltmp1, $4  }
0x20: {  	s15 =	smov.u32 s7;
	s7 =	smov.u32 s11;
	s14 =	sand.u32 @!p1 $0x3FFFFFFF, s14  }
0x21: {  	s11 =	smov.u32 s17;
	_ =	swait.ge @!p1 [sflag:s20], s14;
	s21 =	ssub.s32 @!p1 $0x0, s14  }
0x22: {  	s14 =	smov.u32 s9;
	s9 =	smov.u32 s12;
	[sflag:s20] =	ssyncset.done @!p1 $0x0  }
0x23: {  	s12 =	smov.u32 s18;
	s13 =	smov.u32 s19;
	[sflag:s20] =	ssyncadd.s32 @!p1 s21  }
.LBB1_1:
0x24: {  	p1 =	sgt.u32 s8, $0xFF  }
0x25: {  	s17 =	sxor.u32 @!p1 $0xFFFFFFFF, s8  }
0x26: {  	s18 =	sshll.u32 @!p1 s12, $0x8;
	s19 =	sshll.u32 @!p1 s11, $0x3;
	s21 =	sand.u32 @!p1 $0x78, s11  }
0x27: {  	s20 =	sshll.u32 @!p1 s12, $0x7;
	s18 =	sand.u32 @!p1 $0x3FF800, s18;
	s19 =	sand.u32 @!p1 $0x3FFC00, s19  }
0x28: {  	s17 =	sshll.u32 @!p1 s17, $0xE;
	s18 =	sadd.s32 @!p1 s18, s19;
	s19 =	sand.u32 @!p1 $0x300, s20  }
0x29: {  	s17 =	sand.u32 @!p1 $0x4000, s17;
	s18 =	sor.u32 @!p1 s19, s18;
	s19 =	sand.u32 @!p1 $0x80, s20  }
0x2a: {  	s20 =	sshll.u32 @!p1 s13, $0x13;
	s19 =	sor.u32 @!p1 s21, s19;
	s18 =	sshrl.u32 @!p1 s18, $0x3  }
0x2b: {  	s20 =	sadd.s32 @!p1 s3, s20;
	s21 =	sand.u32 @!p1 $0x7, s11;
	s19 =	sshrl.u32 @!p1 s19, $0x3  }
0x2c: {  	s18 =	sand.u32 @!p1 $0x7FFE0, s18;
	s19 =	sadd.s32 @!p1 s19, s20;
	s20 =	sshll.u32 @!p1 s21, $0x12  }
0x2d: {  	s18 =	sadd.s32 @!p1 s18, s19;
	s19 =	sor.u32 @!p1 $0x400, s20;
	s20 =	simm.s32 @!p1 $0x800  }
0x2e: {  	[tilespmem:s17], [sflag:$0x1] =	stream.strided.gather @!p1 [hbm4b:s18+s19], $0x4000, s20, s19, $0x38;
	[tilespmem:$0x10100] =	vst v63  }
0x2f: {  	p1 =	seq.s32 s8, $0x0  }
0x30: {  	p2 =	seq.s32 @!p1 s8, $0x101  }
0x31: {  	p1 =	por p1, p2  }
.Ltmp2:
0x32: {  	_ = 	snop;
	(pc) =	sbr.rel @p1 .LBB1_5-.Ltmp2, $1  }
0x33: {  	_ =	sdelay $0x3  }
0x34: {  	s17 =	simm.s32 $0x1  }
0x35: {  	_ =	swait.ge [sflag:s4], $0x4000;
	s17 =	simm.s32 @!p0 $0x0  }
0x36: {  	[sflag:s4] =	ssyncset.done $0x0;
	s18 =	sshll.u32 s17, $0xE  }
0x37: {  	[sflag:s4] =	ssyncadd.s32 $0xFFFFC000;
	s18 =	sor.u32 $0x40, s18  }
0x38: {  	s17 =	smul.u32 $0x10200, s17;
	v0 =	vld [tilespmem:s18+$0x30]  }
0x39: {  	v1 =	vld [tilespmem:s18+$0xFFFFFFD0]  }
0x3a: {  	s17 =	sshrl.u32 s17, $0x2;
	v5 =	vld [tilespmem:s18+$0xFFFFFFE0]  }
0x3b: {  	v6 =	vld [tilespmem:s18+$0xFFFFFFF0];
	s20 =	sor.u32 $0x8000, s17  }
0x3c: {  	s31 =	sand.u32 $0x1, s8;
	v4 =	vld [tilespmem:s18+$0x0];
	s19 =	sadd.s32 $0x0, s20  }
0x3d: {  	v3 =	vld [tilespmem:s18+$0x10];
	s17 =	smul.u32 $0x10200, s31;
	[tilespmem:s19+$0x3870 ss:$0x81] =	vst.msk $0xffff, v0  }
0x3e: {  	v2 =	vld [tilespmem:s18+$0x20];
	[tilespmem:s19+$0x810 ss:$0x81] =	vst.msk $0xffff, v1  }
0x3f: {  	s17 =	sshrl.u32 s17, $0x2;
	v1 =	vld [tilespmem:s18+$0xFFFFFFC0];
	[tilespmem:s19+$0x1020 ss:$0x81] =	vst.msk $0xffff, v5;
	s18 =	sadd.s32 $0x80, s18  }
0x40: {  	s21 =	simm.s32 $0x4;
	s22 =	simm.s32 $0x8;
	s17 =	sor.u32 $0x8000, s17;
	[tilespmem:s19+$0x1830 ss:$0x81] =	vst.msk $0xffff, v6;
	v0 =	vld [tilespmem:s18+$0x30]  }
.LBB1_3:
0x41: {  	p1 =	sne.s32 s22, $0x1FC;
	v5 =	vld [tilespmem:s18+$0xFFFFFFD0];
	[tilespmem:s19+$0x2040 ss:$0x81] =	vst.msk $0xffff, v4  }
0x42: {  	v6 =	vld [tilespmem:s18+$0xFFFFFFE0];
	[tilespmem:s19+$0x2850 ss:$0x81] =	vst.msk $0xffff, v3  }
0x43: {  	s23 =	sshra.s32 s21, $0x2;
	s21 =	smov.u32 s22;
	v7 =	vld [tilespmem:s18+$0xFFFFFFF0];
	[tilespmem:s19+$0x3060 ss:$0x81] =	vst.msk $0xffff, v2  }
.Ltmp3:
0x44: {  	v4 =	vld [tilespmem:s18+$0x0];
	[tilespmem:s19+$0x0 ss:$0x81] =	vst.msk $0xffff, v1;
	s19 =	sadd.s32 s23, s20;
	(pc) =	sbr.rel @p1 .LBB1_3-.Ltmp3, $4  }
0x45: {  	v3 =	vld [tilespmem:s18+$0x10];
	[tilespmem:s19+$0x3870 ss:$0x81] =	vst.msk $0xffff, v0  }
0x46: {  	[tilespmem:s19+$0x810 ss:$0x81] =	vst.msk $0xffff, v5;
	v2 =	vld [tilespmem:s18+$0x20]  }
0x47: {  	v1 =	vld [tilespmem:s18+$0xFFFFFFC0];
	[tilespmem:s19+$0x1020 ss:$0x81] =	vst.msk $0xffff, v6;
	s18 =	sadd.s32 $0x80, s18  }
0x48: {  	s22 =	sadd.s32 $0x4, s22;
	v0 =	vld [tilespmem:s18+$0x30];
	[tilespmem:s19+$0x1830 ss:$0x81] =	vst.msk $0xffff, v7  }
0x49: {  	s21 =	sshra.s32 s21, $0x2;
	s28 =	sand.u32 $0x78, s9  }
0x4a: {  	s22 =	sshll.u32 s10, $0x7;
	p1 =	sgt.s32 s10, $0x1F;
	s23 =	smov.u32 s10  }
0x4b: {  	s24 =	sshra.s32 s10, $0x1F;
	s25 =	smov.u32 s7;
	s26 =	sshra.s32 s9, $0x1F  }
0x4c: {  	s31 =	sshll.u32 s10, $0xE;
	s27 =	sshra.s32 s7, $0x1F;
	s20 =	sadd.s32 s21, s20  }
0x4d: {  	s22 =	sand.u32 $0x380, s22;
	s23 =	simm.s32 @!p1 $0x1F;
	p1 =	sgt.s32 s7, $0x48  }
0x4e: {  	s24 =	sand.u32 s24, s10;
	s30 =	sand.u32 s26, s9;
	s26 =	sand.u32 $0x60000, s31  }
0x4f: {  	s31 =	sshll.u32 s9, $0x3;
	s21 =	sor.u32 s22, s28;
	s25 =	simm.s32 @!p1 $0x48  }
0x50: {  	v5 =	vld [tilespmem:s18+$0xFFFFFFD0];
	[tilespmem:s19+$0x2040 ss:$0x81] =	vst.msk $0xffff, v4;
	s29 =	ssub.s32 s23, s24;
	p1 =	sgt.s32 s9, $0x3F80;
	s24 =	smov.u32 s9  }
0x51: {  	v58 =	vld [tilespmem:s18+$0xFFFFFFE0];
	[tilespmem:s19+$0x2850 ss:$0x81] =	vst.msk $0xffff, v3;
	s26 =	sadd.s32 s26, s31;
	s23 =	sadd.s32 $0xFFFFFFE1, s29;
	s24 =	simm.s32 @!p1 $0x3F80  }
0x52: {  	v59 =	vld [tilespmem:s18+$0xFFFFFFF0];
	[tilespmem:s19+$0x3060 ss:$0x81] =	vst.msk $0xffff, v2;
	p1 =	sgt.s32 s23, $0x0;
	s23 =	ssub.s32 s24, s30;
	s24 =	sand.u32 s27, s7  }
0x53: {  	v60 =	vld [tilespmem:s18+$0x0];
	s22 =	ssub.s32 $0x20, s29;
	[tilespmem:s19+$0x0 ss:$0x81] =	vst.msk $0xffff, v1;
	s27 =	sshll.u32 s7, $0x10;
	s28 =	ssub.s32 s25, s24  }
0x54: {  	v61 =	vld [tilespmem:s18+$0x10];
	[tilespmem:s20+$0x3870 ss:$0x81] =	vst.msk $0xffff, v0;
	s22 =	simm.s32 @p1 $0x0;
	s29 =	sadd.s32 $0xFFFFC080, s23;
	s23 =	ssub.s32 $0x4000, s23  }
0x55: {  	v62 =	vld [tilespmem:s18+$0x20];
	[tilespmem:s20+$0x810 ss:$0x81] =	vst.msk $0xffff, v5;
	s25 =	sand.u32 $0x3C00, s31;
	p1 =	sgt.s32 s29, $0x7F;
	s30 =	sadd.s32 $0xFFFFFFB8, s28  }
0x56: {  	v63 =	vld [tilespmem:s18+$0xFFFFFFC0];
	[tilespmem:s20+$0x1020 ss:$0x81] =	vst.msk $0xffff, v58;
	s19 =	ssub.s32 $0xC8, s28;
	s21 =	sor.u32 s25, s21;
	s23 =	simm.s32 @p1 $0x0  }
0x57: {  	[tilespmem:s20+$0x1830 ss:$0x81] =	vst.msk $0xffff, v59;
	s28 =	sshrl.u32 s26, $0x3;
	p1 =	sgt.s32 s30, $0x7F;
	s23 =	smul.u32 s22, s23  }
.Ltmp4:
0x58: {  	[tilespmem:s20+$0x2040 ss:$0x81] =	vst.msk $0xffff, v60;
	s29 =	sand.u32 $0x7, s9;
	s19 =	simm.s32 @p1 $0x0;
	(pc) =	sbr.rel .LBB1_5-.Ltmp4, $4  }
0x59: {  	[tilespmem:s20+$0x2850 ss:$0x81] =	vst.msk $0xffff, v61;
	s22 =	sand.u32 $0xF800, s28;
	s18 =	smul.u32 s19, s23;
	s19 =	sadd.s32 s2, s27  }
0x5a: {  	[tilespmem:s20+$0x3060 ss:$0x81] =	vst.msk $0xffff, v62;
	s21 =	sshrl.u32 s21, $0x3;
	s30 =	sshll.u32 s29, $0x12;
	s19 =	sadd.s32 s22, s19  }
0x5b: {  	[tilespmem:s20+$0x0 ss:$0x81] =	vst.msk $0xffff, v63;
	s31 =	sor.u32 $0x80, s30;
	s18 =	sand.u32 $0x3FFFFFFF, s18;
	s19 =	sadd.s32 s21, s19  }
0x5c: {  	[hbm4b:s19+s31] =	stream.strided.scatter [tilespmem:s17], [sflag:$0x2], s18, s6, s31, $0x20;
	[tilespmem:$0x10100] =	vst v63  }
.LBB1_6:
0x5d: {  	_ =	sfence.sel $0x180000  }
0x5e: {  	s2 =	simm.s32 $0x1;
	[bflag:$0x0] =	sbarrier.arrive $0xFFFF  }
0x5f: {  	s31 =	simm.s32 $0x2;
	[sflag:s2] =	ssyncpa.u1 $0x1  }
0x60: {  	[sflag:s31] =	ssyncpa.u1 $0x1  }
0x61: {  	p0 =	sne.s32 s1, $0x0;
	_ =	strace $0x9000004D  }
0x62: {  	s0 =	sadd.s32 @!p0 $0x100000, s0;
	[bflag:$0x2] =	sbarrier.arrive $0xFFFF  }
0x63: {  	[sflag:s0] =	ssyncadd.tile.s32 @!p0 $0x1;
	_ =	shalt  }
.Lfunc_end1:
_tile_overlayer_lowered:
.L_overlay_start_2:
0x64: {  	(tag) =	ssettag $0x2  }
0x65: {  	s0 =	rddreg [dreg:$0x0];
	s2 =	stileid.u32  }
0x66: {  	s1 =	rddreg [dreg:$0x1];
	p0 =	sne.s32 s2, $0x0  }
0x67: {  	s3 =	rddreg [dreg:$0x2];
	[bflag:$0x3] =	sbarrier.arrive $0xFFFF;
	s2 =	simm.s32 @!p0 $0x1C01  }
0x68: {  	[timem:s3], [sflag:s2] =	dma.local @!p0 [hbm:s0], s1  }
0x69: {  	s0 =	simm.s32 @!p0 $0x1  }
0x6a: {  	_ =	swait.ge @!p0 [sflag:s0], s1  }
0x6b: {  	s1 =	ssub.s32 @!p0 $0x0, s1;
	[sflag:s0] =	ssyncset.done @!p0 $0x0  }
0x6c: {  	[sflag:s0] =	ssyncadd.s32 @!p0 s1  }
0x6d: {  	[bflag:$0x3] =	sbarrier.arrive $0xFFFF  }
0x6e: {  	_ =	shalt  }

</sc_bundles>
